<compile_context>
chip_gen: v7x
topology: tpu7x:2x2x1
jax: 0.10.2.dev20260603
libtpu: 0.0.44.dev20260713+nightly
codegen_flags: <defaults>
</compile_context>

<pallas_src>
import functools

import jax
import jax.numpy as jnp
from jax import lax
from jax.experimental import pallas as pl
from jax.experimental.pallas import tpu as pltpu
from jax.experimental.pallas import tpu_sc as plsc

_B = 16384
_J = 50
_D = 32


def _make_gather():
    info = plsc.get_sparse_core_info()
    nw = info.num_cores * info.num_subcores
    b_per_w = _B // nw
    cb = 32
    chunk = cb * _J
    n_chunks = b_per_w // cb

    mesh = plsc.VectorSubcoreMesh(core_axis_name="c", subcore_axis_name="s")

    @functools.partial(
        pl.kernel,
        mesh=mesh,
        out_type=jax.ShapeDtypeStruct((_B, _J, _D), jnp.float32),
        scratch_types=[
            pltpu.VMEM((b_per_w * _J,), jnp.int32),
            pltpu.VMEM((chunk, _D), jnp.float32),
            pltpu.SemaphoreType.DMA,
        ],
        compiler_params=pltpu.CompilerParams(use_tc_tiling_on_sc=False),
    )
    def gather_kernel(idx_hbm, table_hbm, out_hbm, idx_v, rows_v, sem):
        wid = lax.axis_index("s") * info.num_cores + lax.axis_index("c")
        base = wid * b_per_w * _J
        pltpu.sync_copy(idx_hbm.at[pl.ds(base, b_per_w * _J)], idx_v)

        def body(g, carry):
            off = pl.multiple_of(g * chunk, chunk)
            bb = wid * b_per_w + g * cb
            pltpu.async_copy(
                table_hbm.at[idx_v.at[pl.ds(off, chunk)]], rows_v, sem
            ).wait()
            for k in range(cb):
                pltpu.sync_copy(
                    rows_v.at[pl.ds(k * _J, _J)], out_hbm.at[bb + k]
                )
            return carry

        lax.fori_loop(0, n_chunks, body, 0)

    return gather_kernel


_gather = _make_gather()


def kernel(indices, weight):
    flat_idx = indices.reshape(-1)
    return _gather(flat_idx, weight)

# --- scband reference (transcript-rebuilt; emitter-appended) ---
"""Pipeline reference for scband-embedding-9053791060297 (READ-ONLY COPY).

The authoritative reference and input builder live on the scoring server;
editing this copy changes nothing except your own understanding.
"""

import jax, jax.numpy as jnp
import numpy as np

NUM_EMBEDDING = 1000000
EMBEDDING_DIM = 32

def setup_inputs(seed: int = 0) -> dict:
    key = jax.random.key(seed)
    k_idx, k_w = jax.random.split(key)
    indices = jax.random.randint(k_idx, (16384, 50), 0, NUM_EMBEDDING, dtype=jnp.int64 if jax.config.jax_enable_x64 else jnp.int32)
    variance = 2.0 / (NUM_EMBEDDING + EMBEDDING_DIM)
    std = variance ** 0.5
    # trunc_normal_(mean=0, std=std, a=-3, b=-3..3): approximate with truncated normal in [-3, 3]
    weight = (jax.random.truncated_normal(k_w, -3.0 / 1.0, 3.0 / 1.0, (NUM_EMBEDDING, EMBEDDING_DIM), dtype=jnp.float32) * std)
    # Note: torch trunc_normal_ truncates the value (not the standardized var) to [a, b] = [-3, 3];
    # since std is tiny, the std-normal truncation at +/-3 std then scaled matches closely in distribution
    # but to be faithful to value-truncation, clip explicitly:
    weight = jnp.clip(jax.random.normal(k_w, (NUM_EMBEDDING, EMBEDDING_DIM), dtype=jnp.float32) * std, -3.0, 3.0)
    return {"indices": indices, "weight": weight}

def reference(indices, weight):
    return weight[indices]

if __name__ == "__main__":
    import jax
    _d = setup_inputs()
    print(jax.jit(kernel)(*tuple(_d.values())))

</pallas_src>

<mosaic_0001>
#map = affine_map<(d0, d1) -> (0)>
#map1 = affine_map<(d0, d1) -> (0, 0)>
#map2 = affine_map<(d0, d1) -> (0, 0, 0)>
module attributes {stable_mosaic.version = 14 : i64} {
  func.func @gather_kernel(%arg0: i32, %arg1: i32, %arg2: memref<819200xi32, #tpu.memory_space<hbm>>, %arg3: memref<1000000x32xf32, #tpu.memory_space<hbm>>, %arg4: memref<16384x50x32xf32, #tpu.memory_space<hbm>>, %arg5: memref<25600xi32, #tpu.memory_space<vmem>>, %arg6: memref<1600x32xf32, #tpu.memory_space<vmem>>, %arg7: memref<!tpu.dma_semaphore, #tpu.memory_space<semaphore_mem>>) attributes {dimension_semantics = [#tpu.dimension_semantics<core_parallel>, #tpu.dimension_semantics<subcore_parallel>], iteration_bounds = array<i64: 2, 16>, scalar_prefetch = 0 : i64, scratch_operands = 3 : i64, tpu.core_type = #tpu.core_type<sc_vector_subcore>, window_params = [{transform_indices = #map}, {transform_indices = #map1}, {transform_indices = #map2}]} {
    %mul3A = arith.constant 2 : i32
    %mul3A_0 = arith.muli %arg1, %mul3A : i32
    %add3A = arith.addi %mul3A_0, %arg0 : i32
    %mul3A_1 = arith.constant 512 : i32
    %mul3A_2 = arith.muli %add3A, %mul3A_1 : i32
    %mul3A_3 = arith.constant 50 : i32
    %mul3A_4 = arith.muli %mul3A_2, %mul3A_3 : i32
    "tpu.region"() ({
      %run_scoped3A = tpu.sem_alloc : memref<!tpu.dma_semaphore, #tpu.memory_space<semaphore_mem>>
      %dma_start3A = tpu.memref_slice %arg2[%mul3A_4] : memref<819200xi32, #tpu.memory_space<hbm>> -> memref<25600xi32, #tpu.memory_space<hbm>>
      %dma_start3A_10 = tpu.memref_slice %arg2[%mul3A_4] : memref<819200xi32, #tpu.memory_space<hbm>> -> memref<25600xi32, #tpu.memory_space<hbm>>
      tpu.enqueue_dma source(%dma_start3A_10 : memref<25600xi32, #tpu.memory_space<hbm>>) target(%arg5 : memref<25600xi32, #tpu.memory_space<vmem>>) target_semaphore(%run_scoped3A : memref<!tpu.dma_semaphore, #tpu.memory_space<semaphore_mem>>)
      %dma_wait3A = tpu.memref_slice %arg2[%mul3A_4] : memref<819200xi32, #tpu.memory_space<hbm>> -> memref<25600xi32, #tpu.memory_space<hbm>>
      %dma_wait3A_11 = tpu.memref_slice %arg2[%mul3A_4] : memref<819200xi32, #tpu.memory_space<hbm>> -> memref<25600xi32, #tpu.memory_space<hbm>>
      tpu.wait_dma2 semaphore(%run_scoped3A : memref<!tpu.dma_semaphore, #tpu.memory_space<semaphore_mem>>) src(%dma_wait3A_11 : memref<25600xi32, #tpu.memory_space<hbm>>) dst(%arg5 : memref<25600xi32, #tpu.memory_space<vmem>>)
      tpu.yield
    }) : () -> ()
    %scan3A = arith.constant 0 : i32
    %scan3A_5 = arith.constant 0 : i32
    %scan3A_6 = arith.constant 16 : i32
    %scan3A_7 = arith.addi %scan3A_5, %scan3A_6 : i32
    %scan3A_8 = arith.constant 1 : i32
    scf.for %scan3A_10 = %scan3A_5 to %scan3A_7 step %scan3A_8  : i32 {
      %mul3A_11 = arith.constant 1600 : i32
      %mul3A_12 = arith.muli %scan3A_10, %mul3A_11 : i32
      %multiple_of3A = tpu.assume_multiple %mul3A_12, 1600 : i32
      %mul3A_13 = arith.constant 512 : i32
      %mul3A_14 = arith.muli %add3A, %mul3A_13 : i32
      %mul3A_15 = arith.constant 32 : i32
      %mul3A_16 = arith.muli %scan3A_10, %mul3A_15 : i32
      %add3A_17 = arith.addi %mul3A_14, %mul3A_16 : i32
      %dma_start3A = tpu.memref_slice %arg5[%multiple_of3A] : memref<25600xi32, #tpu.memory_space<vmem>> -> memref<1600xi32, #tpu.memory_space<vmem>>
      %dma_start3A_18 = arith.constant 0 : i32
      %dma_start3A_19 = arith.constant 0 : i32
      %dma_start3A_20 = tpu.memref_slice %arg3[%dma_start3A_18, %dma_start3A_19] : memref<1000000x32xf32, #tpu.memory_space<hbm>> -> memref<1000000x32xf32, #tpu.memory_space<hbm>>
      tpu.enqueue_indirect_dma source(%dma_start3A_20 : memref<1000000x32xf32, #tpu.memory_space<hbm>>) target(%arg6 : memref<1600x32xf32, #tpu.memory_space<vmem>>) offsets(%dma_start3A : memref<1600xi32, #tpu.memory_space<vmem>>) semaphore(%arg7 : memref<!tpu.dma_semaphore, #tpu.memory_space<semaphore_mem>>)
      %dma_wait3A = tpu.memref_slice %arg5[%multiple_of3A] : memref<25600xi32, #tpu.memory_space<vmem>> -> memref<1600xi32, #tpu.memory_space<vmem>>
      %dma_wait3A_21 = arith.constant 0 : i32
      %dma_wait3A_22 = arith.constant 0 : i32
      %dma_wait3A_23 = tpu.memref_slice %arg3[%dma_wait3A_21, %dma_wait3A_22] : memref<1000000x32xf32, #tpu.memory_space<hbm>> -> memref<1000000x32xf32, #tpu.memory_space<hbm>>
      tpu.wait_indirect_dma semaphore(%arg7 : memref<!tpu.dma_semaphore, #tpu.memory_space<semaphore_mem>>) src(%dma_wait3A_23 : memref<1000000x32xf32, #tpu.memory_space<hbm>>) dst(%arg6 : memref<1600x32xf32, #tpu.memory_space<vmem>>)
      %add3A_24 = arith.constant 0 : i32
      %add3A_25 = arith.addi %add3A_17, %add3A_24 : i32
      "tpu.region"() ({
        %run_scoped3A = tpu.sem_alloc : memref<!tpu.dma_semaphore, #tpu.memory_space<semaphore_mem>>
        %dma_start3A_88 = arith.constant 0 : i32
        %dma_start3A_89 = arith.constant 0 : i32
        %dma_start3A_90 = tpu.memref_slice %arg6[%dma_start3A_88, %dma_start3A_89] : memref<1600x32xf32, #tpu.memory_space<vmem>> -> memref<50x32xf32, #tpu.memory_space<vmem>>
        %dma_start3A_91 = arith.constant 0 : i32
        %dma_start3A_92 = arith.constant 0 : i32
        %dma_start3A_93 = tpu.memref_slice %arg4[%add3A_25, %dma_start3A_91, %dma_start3A_92] : memref<16384x50x32xf32, #tpu.memory_space<hbm>> -> memref<1x50x32xf32, #tpu.memory_space<hbm>>
        %dma_start3A_94 = tpu.memref_squeeze %dma_start3A_93 : memref<1x50x32xf32, #tpu.memory_space<hbm>> -> memref<50x32xf32, #tpu.memory_space<hbm>>
        %dma_start3A_95 = arith.constant 0 : i32
        %dma_start3A_96 = arith.constant 0 : i32
        %dma_start3A_97 = tpu.memref_slice %arg4[%add3A_25, %dma_start3A_95, %dma_start3A_96] : memref<16384x50x32xf32, #tpu.memory_space<hbm>> -> memref<1x50x32xf32, #tpu.memory_space<hbm>>
        %dma_start3A_98 = tpu.memref_squeeze %dma_start3A_97 : memref<1x50x32xf32, #tpu.memory_space<hbm>> -> memref<50x32xf32, #tpu.memory_space<hbm>>
        %dma_start3A_99 = arith.constant 0 : i32
        %dma_start3A_100 = arith.constant 0 : i32
        %dma_start3A_101 = tpu.memref_slice %arg6[%dma_start3A_99, %dma_start3A_100] : memref<1600x32xf32, #tpu.memory_space<vmem>> -> memref<50x32xf32, #tpu.memory_space<vmem>>
        tpu.enqueue_dma source(%dma_start3A_101 : memref<50x32xf32, #tpu.memory_space<vmem>>) target(%dma_start3A_98 : memref<50x32xf32, #tpu.memory_space<hbm>>) target_semaphore(%run_scoped3A : memref<!tpu.dma_semaphore, #tpu.memory_space<semaphore_mem>>)
        %dma_wait3A_102 = arith.constant 0 : i32
        %dma_wait3A_103 = arith.constant 0 : i32
        %dma_wait3A_104 = tpu.memref_slice %arg6[%dma_wait3A_102, %dma_wait3A_103] : memref<1600x32xf32, #tpu.memory_space<vmem>> -> memref<50x32xf32, #tpu.memory_space<vmem>>
        %dma_wait3A_105 = arith.constant 0 : i32
        %dma_wait3A_106 = arith.constant 0 : i32
        %dma_wait3A_107 = tpu.memref_slice %arg4[%add3A_25, %dma_wait3A_105, %dma_wait3A_106] : memref<16384x50x32xf32, #tpu.memory_space<hbm>> -> memref<1x50x32xf32, #tpu.memory_space<hbm>>
        %dma_wait3A_108 = tpu.memref_squeeze %dma_wait3A_107 : memref<1x50x32xf32, #tpu.memory_space<hbm>> -> memref<50x32xf32, #tpu.memory_space<hbm>>
        %dma_wait3A_109 = arith.constant 0 : i32
        %dma_wait3A_110 = arith.constant 0 : i32
        %dma_wait3A_111 = tpu.memref_slice %arg4[%add3A_25, %dma_wait3A_109, %dma_wait3A_110] : memref<16384x50x32xf32, #tpu.memory_space<hbm>> -> memref<1x50x32xf32, #tpu.memory_space<hbm>>
        %dma_wait3A_112 = tpu.memref_squeeze %dma_wait3A_111 : memref<1x50x32xf32, #tpu.memory_space<hbm>> -> memref<50x32xf32, #tpu.memory_space<hbm>>
        %dma_wait3A_113 = arith.constant 0 : i32
        %dma_wait3A_114 = arith.constant 0 : i32
        %dma_wait3A_115 = tpu.memref_slice %arg6[%dma_wait3A_113, %dma_wait3A_114] : memref<1600x32xf32, #tpu.memory_space<vmem>> -> memref<50x32xf32, #tpu.memory_space<vmem>>
        tpu.wait_dma2 semaphore(%run_scoped3A : memref<!tpu.dma_semaphore, #tpu.memory_space<semaphore_mem>>) src(%dma_wait3A_115 : memref<50x32xf32, #tpu.memory_space<vmem>>) dst(%dma_wait3A_112 : memref<50x32xf32, #tpu.memory_space<hbm>>)
        tpu.yield
      }) : () -> ()
      %add3A_26 = arith.constant 1 : i32
      %add3A_27 = arith.addi %add3A_17, %add3A_26 : i32
      "tpu.region"() ({
        %run_scoped3A = tpu.sem_alloc : memref<!tpu.dma_semaphore, #tpu.memory_space<semaphore_mem>>
        %dma_start3A_88 = arith.constant 50 : i32
        %dma_start3A_89 = arith.constant 0 : i32
        %dma_start3A_90 = tpu.memref_slice %arg6[%dma_start3A_88, %dma_start3A_89] : memref<1600x32xf32, #tpu.memory_space<vmem>> -> memref<50x32xf32, #tpu.memory_space<vmem>>
        %dma_start3A_91 = arith.constant 0 : i32
        %dma_start3A_92 = arith.constant 0 : i32
        %dma_start3A_93 = tpu.memref_slice %arg4[%add3A_27, %dma_start3A_91, %dma_start3A_92] : memref<16384x50x32xf32, #tpu.memory_space<hbm>> -> memref<1x50x32xf32, #tpu.memory_space<hbm>>
        %dma_start3A_94 = tpu.memref_squeeze %dma_start3A_93 : memref<1x50x32xf32, #tpu.memory_space<hbm>> -> memref<50x32xf32, #tpu.memory_space<hbm>>
        %dma_start3A_95 = arith.constant 0 : i32
        %dma_start3A_96 = arith.constant 0 : i32
        %dma_start3A_97 = tpu.memref_slice %arg4[%add3A_27, %dma_start3A_95, %dma_start3A_96] : memref<16384x50x32xf32, #tpu.memory_space<hbm>> -> memref<1x50x32xf32, #tpu.memory_space<hbm>>
        %dma_start3A_98 = tpu.memref_squeeze %dma_start3A_97 : memref<1x50x32xf32, #tpu.memory_space<hbm>> -> memref<50x32xf32, #tpu.memory_space<hbm>>
        %dma_start3A_99 = arith.constant 50 : i32
        %dma_start3A_100 = arith.constant 0 : i32
        %dma_start3A_101 = tpu.memref_slice %arg6[%dma_start3A_99, %dma_start3A_100] : memref<1600x32xf32, #tpu.memory_space<vmem>> -> memref<50x32xf32, #tpu.memory_space<vmem>>
        tpu.enqueue_dma source(%dma_start3A_101 : memref<50x32xf32, #tpu.memory_space<vmem>>) target(%dma_start3A_98 : memref<50x32xf32, #tpu.memory_space<hbm>>) target_semaphore(%run_scoped3A : memref<!tpu.dma_semaphore, #tpu.memory_space<semaphore_mem>>)
        %dma_wait3A_102 = arith.constant 50 : i32
        %dma_wait3A_103 = arith.constant 0 : i32
        %dma_wait3A_104 = tpu.memref_slice %arg6[%dma_wait3A_102, %dma_wait3A_103] : memref<1600x32xf32, #tpu.memory_space<vmem>> -> memref<50x32xf32, #tpu.memory_space<vmem>>
        %dma_wait3A_105 = arith.constant 0 : i32
        %dma_wait3A_106 = arith.constant 0 : i32
        %dma_wait3A_107 = tpu.memref_slice %arg4[%add3A_27, %dma_wait3A_105, %dma_wait3A_106] : memref<16384x50x32xf32, #tpu.memory_space<hbm>> -> memref<1x50x32xf32, #tpu.memory_space<hbm>>
        %dma_wait3A_108 = tpu.memref_squeeze %dma_wait3A_107 : memref<1x50x32xf32, #tpu.memory_space<hbm>> -> memref<50x32xf32, #tpu.memory_space<hbm>>
        %dma_wait3A_109 = arith.constant 0 : i32
        %dma_wait3A_110 = arith.constant 0 : i32
        %dma_wait3A_111 = tpu.memref_slice %arg4[%add3A_27, %dma_wait3A_109, %dma_wait3A_110] : memref<16384x50x32xf32, #tpu.memory_space<hbm>> -> memref<1x50x32xf32, #tpu.memory_space<hbm>>
        %dma_wait3A_112 = tpu.memref_squeeze %dma_wait3A_111 : memref<1x50x32xf32, #tpu.memory_space<hbm>> -> memref<50x32xf32, #tpu.memory_space<hbm>>
        %dma_wait3A_113 = arith.constant 50 : i32
        %dma_wait3A_114 = arith.constant 0 : i32
        %dma_wait3A_115 = tpu.memref_slice %arg6[%dma_wait3A_113, %dma_wait3A_114] : memref<1600x32xf32, #tpu.memory_space<vmem>> -> memref<50x32xf32, #tpu.memory_space<vmem>>
        tpu.wait_dma2 semaphore(%run_scoped3A : memref<!tpu.dma_semaphore, #tpu.memory_space<semaphore_mem>>) src(%dma_wait3A_115 : memref<50x32xf32, #tpu.memory_space<vmem>>) dst(%dma_wait3A_112 : memref<50x32xf32, #tpu.memory_space<hbm>>)
        tpu.yield
      }) : () -> ()
      %add3A_28 = arith.constant 2 : i32
      %add3A_29 = arith.addi %add3A_17, %add3A_28 : i32
      "tpu.region"() ({
        %run_scoped3A = tpu.sem_alloc : memref<!tpu.dma_semaphore, #tpu.memory_space<semaphore_mem>>
        %dma_start3A_88 = arith.constant 100 : i32
        %dma_start3A_89 = arith.constant 0 : i32
        %dma_start3A_90 = tpu.memref_slice %arg6[%dma_start3A_88, %dma_start3A_89] : memref<1600x32xf32, #tpu.memory_space<vmem>> -> memref<50x32xf32, #tpu.memory_space<vmem>>
        %dma_start3A_91 = arith.constant 0 : i32
        %dma_start3A_92 = arith.constant 0 : i32
        %dma_start3A_93 = tpu.memref_slice %arg4[%add3A_29, %dma_start3A_91, %dma_start3A_92] : memref<16384x50x32xf32, #tpu.memory_space<hbm>> -> memref<1x50x32xf32, #tpu.memory_space<hbm>>
        %dma_start3A_94 = tpu.memref_squeeze %dma_start3A_93 : memref<1x50x32xf32, #tpu.memory_space<hbm>> -> memref<50x32xf32, #tpu.memory_space<hbm>>
        %dma_start3A_95 = arith.constant 0 : i32
        %dma_start3A_96 = arith.constant 0 : i32
        %dma_start3A_97 = tpu.memref_slice %arg4[%add3A_29, %dma_start3A_95, %dma_start3A_96] : memref<16384x50x32xf32, #tpu.memory_space<hbm>> -> memref<1x50x32xf32, #tpu.memory_space<hbm>>
        %dma_start3A_98 = tpu.memref_squeeze %dma_start3A_97 : memref<1x50x32xf32, #tpu.memory_space<hbm>> -> memref<50x32xf32, #tpu.memory_space<hbm>>
        %dma_start3A_99 = arith.constant 100 : i32
        %dma_start3A_100 = arith.constant 0 : i32
        %dma_start3A_101 = tpu.memref_slice %arg6[%dma_start3A_99, %dma_start3A_100] : memref<1600x32xf32, #tpu.memory_space<vmem>> -> memref<50x32xf32, #tpu.memory_space<vmem>>
        tpu.enqueue_dma source(%dma_start3A_101 : memref<50x32xf32, #tpu.memory_space<vmem>>) target(%dma_start3A_98 : memref<50x32xf32, #tpu.memory_space<hbm>>) target_semaphore(%run_scoped3A : memref<!tpu.dma_semaphore, #tpu.memory_space<semaphore_mem>>)
        %dma_wait3A_102 = arith.constant 100 : i32
        %dma_wait3A_103 = arith.constant 0 : i32
        %dma_wait3A_104 = tpu.memref_slice %arg6[%dma_wait3A_102, %dma_wait3A_103] : memref<1600x32xf32, #tpu.memory_space<vmem>> -> memref<50x32xf32, #tpu.memory_space<vmem>>
        %dma_wait3A_105 = arith.constant 0 : i32
        %dma_wait3A_106 = arith.constant 0 : i32
        %dma_wait3A_107 = tpu.memref_slice %arg4[%add3A_29, %dma_wait3A_105, %dma_wait3A_106] : memref<16384x50x32xf32, #tpu.memory_space<hbm>> -> memref<1x50x32xf32, #tpu.memory_space<hbm>>
        %dma_wait3A_108 = tpu.memref_squeeze %dma_wait3A_107 : memref<1x50x32xf32, #tpu.memory_space<hbm>> -> memref<50x32xf32, #tpu.memory_space<hbm>>
        %dma_wait3A_109 = arith.constant 0 : i32
        %dma_wait3A_110 = arith.constant 0 : i32
        %dma_wait3A_111 = tpu.memref_slice %arg4[%add3A_29, %dma_wait3A_109, %dma_wait3A_110] : memref<16384x50x32xf32, #tpu.memory_space<hbm>> -> memref<1x50x32xf32, #tpu.memory_space<hbm>>
        %dma_wait3A_112 = tpu.memref_squeeze %dma_wait3A_111 : memref<1x50x32xf32, #tpu.memory_space<hbm>> -> memref<50x32xf32, #tpu.memory_space<hbm>>
        %dma_wait3A_113 = arith.constant 100 : i32
        %dma_wait3A_114 = arith.constant 0 : i32
        %dma_wait3A_115 = tpu.memref_slice %arg6[%dma_wait3A_113, %dma_wait3A_114] : memref<1600x32xf32, #tpu.memory_space<vmem>> -> memref<50x32xf32, #tpu.memory_space<vmem>>
        tpu.wait_dma2 semaphore(%run_scoped3A : memref<!tpu.dma_semaphore, #tpu.memory_space<semaphore_mem>>) src(%dma_wait3A_115 : memref<50x32xf32, #tpu.memory_space<vmem>>) dst(%dma_wait3A_112 : memref<50x32xf32, #tpu.memory_space<hbm>>)
        tpu.yield
      }) : () -> ()
      %add3A_30 = arith.constant 3 : i32
      %add3A_31 = arith.addi %add3A_17, %add3A_30 : i32
      "tpu.region"() ({
        %run_scoped3A = tpu.sem_alloc : memref<!tpu.dma_semaphore, #tpu.memory_space<semaphore_mem>>
        %dma_start3A_88 = arith.constant 150 : i32
        %dma_start3A_89 = arith.constant 0 : i32
        %dma_start3A_90 = tpu.memref_slice %arg6[%dma_start3A_88, %dma_start3A_89] : memref<1600x32xf32, #tpu.memory_space<vmem>> -> memref<50x32xf32, #tpu.memory_space<vmem>>
        %dma_start3A_91 = arith.constant 0 : i32
        %dma_start3A_92 = arith.constant 0 : i32
        %dma_start3A_93 = tpu.memref_slice %arg4[%add3A_31, %dma_start3A_91, %dma_start3A_92] : memref<16384x50x32xf32, #tpu.memory_space<hbm>> -> memref<1x50x32xf32, #tpu.memory_space<hbm>>
        %dma_start3A_94 = tpu.memref_squeeze %dma_start3A_93 : memref<1x50x32xf32, #tpu.memory_space<hbm>> -> memref<50x32xf32, #tpu.memory_space<hbm>>
        %dma_start3A_95 = arith.constant 0 : i32
        %dma_start3A_96 = arith.constant 0 : i32
        %dma_start3A_97 = tpu.memref_slice %arg4[%add3A_31, %dma_start3A_95, %dma_start3A_96] : memref<16384x50x32xf32, #tpu.memory_space<hbm>> -> memref<1x50x32xf32, #tpu.memory_space<hbm>>
        %dma_start3A_98 = tpu.memref_squeeze %dma_start3A_97 : memref<1x50x32xf32, #tpu.memory_space<hbm>> -> memref<50x32xf32, #tpu.memory_space<hbm>>
        %dma_start3A_99 = arith.constant 150 : i32
        %dma_start3A_100 = arith.constant 0 : i32
        %dma_start3A_101 = tpu.memref_slice %arg6[%dma_start3A_99, %dma_start3A_100] : memref<1600x32xf32, #tpu.memory_space<vmem>> -> memref<50x32xf32, #tpu.memory_space<vmem>>
        tpu.enqueue_dma source(%dma_start3A_101 : memref<50x32xf32, #tpu.memory_space<vmem>>) target(%dma_start3A_98 : memref<50x32xf32, #tpu.memory_space<hbm>>) target_semaphore(%run_scoped3A : memref<!tpu.dma_semaphore, #tpu.memory_space<semaphore_mem>>)
        %dma_wait3A_102 = arith.constant 150 : i32
        %dma_wait3A_103 = arith.constant 0 : i32
        %dma_wait3A_104 = tpu.memref_slice %arg6[%dma_wait3A_102, %dma_wait3A_103] : memref<1600x32xf32, #tpu.memory_space<vmem>> -> memref<50x32xf32, #tpu.memory_space<vmem>>
        %dma_wait3A_105 = arith.constant 0 : i32
        %dma_wait3A_106 = arith.constant 0 : i32
        %dma_wait3A_107 = tpu.memref_slice %arg4[%add3A_31, %dma_wait3A_105, %dma_wait3A_106] : memref<16384x50x32xf32, #tpu.memory_space<hbm>> -> memref<1x50x32xf32, #tpu.memory_space<hbm>>
        %dma_wait3A_108 = tpu.memref_squeeze %dma_wait3A_107 : memref<1x50x32xf32, #tpu.memory_space<hbm>> -> memref<50x32xf32, #tpu.memory_space<hbm>>
        %dma_wait3A_109 = arith.constant 0 : i32
        %dma_wait3A_110 = arith.constant 0 : i32
        %dma_wait3A_111 = tpu.memref_slice %arg4[%add3A_31, %dma_wait3A_109, %dma_wait3A_110] : memref<16384x50x32xf32, #tpu.memory_space<hbm>> -> memref<1x50x32xf32, #tpu.memory_space<hbm>>
        %dma_wait3A_112 = tpu.memref_squeeze %dma_wait3A_111 : memref<1x50x32xf32, #tpu.memory_space<hbm>> -> memref<50x32xf32, #tpu.memory_space<hbm>>
        %dma_wait3A_113 = arith.constant 150 : i32
        %dma_wait3A_114 = arith.constant 0 : i32
        %dma_wait3A_115 = tpu.memref_slice %arg6[%dma_wait3A_113, %dma_wait3A_114] : memref<1600x32xf32, #tpu.memory_space<vmem>> -> memref<50x32xf32, #tpu.memory_space<vmem>>
        tpu.wait_dma2 semaphore(%run_scoped3A : memref<!tpu.dma_semaphore, #tpu.memory_space<semaphore_mem>>) src(%dma_wait3A_115 : memref<50x32xf32, #tpu.memory_space<vmem>>) dst(%dma_wait3A_112 : memref<50x32xf32, #tpu.memory_space<hbm>>)
        tpu.yield
      }) : () -> ()
      %add3A_32 = arith.constant 4 : i32
      %add3A_33 = arith.addi %add3A_17, %add3A_32 : i32
      "tpu.region"() ({
        %run_scoped3A = tpu.sem_alloc : memref<!tpu.dma_semaphore, #tpu.memory_space<semaphore_mem>>
        %dma_start3A_88 = arith.constant 200 : i32
        %dma_start3A_89 = arith.constant 0 : i32
        %dma_start3A_90 = tpu.memref_slice %arg6[%dma_start3A_88, %dma_start3A_89] : memref<1600x32xf32, #tpu.memory_space<vmem>> -> memref<50x32xf32, #tpu.memory_space<vmem>>
        %dma_start3A_91 = arith.constant 0 : i32
        %dma_start3A_92 = arith.constant 0 : i32
        %dma_start3A_93 = tpu.memref_slice %arg4[%add3A_33, %dma_start3A_91, %dma_start3A_92] : memref<16384x50x32xf32, #tpu.memory_space<hbm>> -> memref<1x50x32xf32, #tpu.memory_space<hbm>>
        %dma_start3A_94 = tpu.memref_squeeze %dma_start3A_93 : memref<1x50x32xf32, #tpu.memory_space<hbm>> -> memref<50x32xf32, #tpu.memory_space<hbm>>
        %dma_start3A_95 = arith.constant 0 : i32
        %dma_start3A_96 = arith.constant 0 : i32
        %dma_start3A_97 = tpu.memref_slice %arg4[%add3A_33, %dma_start3A_95, %dma_start3A_96] : memref<16384x50x32xf32, #tpu.memory_space<hbm>> -> memref<1x50x32xf32, #tpu.memory_space<hbm>>
        %dma_start3A_98 = tpu.memref_squeeze %dma_start3A_97 : memref<1x50x32xf32, #tpu.memory_space<hbm>> -> memref<50x32xf32, #tpu.memory_space<hbm>>
        %dma_start3A_99 = arith.constant 200 : i32
        %dma_start3A_100 = arith.constant 0 : i32
        %dma_start3A_101 = tpu.memref_slice %arg6[%dma_start3A_99, %dma_start3A_100] : memref<1600x32xf32, #tpu.memory_space<vmem>> -> memref<50x32xf32, #tpu.memory_space<vmem>>
        tpu.enqueue_dma source(%dma_start3A_101 : memref<50x32xf32, #tpu.memory_space<vmem>>) target(%dma_start3A_98 : memref<50x32xf32, #tpu.memory_space<hbm>>) target_semaphore(%run_scoped3A : memref<!tpu.dma_semaphore, #tpu.memory_space<semaphore_mem>>)
        %dma_wait3A_102 = arith.constant 200 : i32
        %dma_wait3A_103 = arith.constant 0 : i32
        %dma_wait3A_104 = tpu.memref_slice %arg6[%dma_wait3A_102, %dma_wait3A_103] : memref<1600x32xf32, #tpu.memory_space<vmem>> -> memref<50x32xf32, #tpu.memory_space<vmem>>
        %dma_wait3A_105 = arith.constant 0 : i32
        %dma_wait3A_106 = arith.constant 0 : i32
        %dma_wait3A_107 = tpu.memref_slice %arg4[%add3A_33, %dma_wait3A_105, %dma_wait3A_106] : memref<16384x50x32xf32, #tpu.memory_space<hbm>> -> memref<1x50x32xf32, #tpu.memory_space<hbm>>
        %dma_wait3A_108 = tpu.memref_squeeze %dma_wait3A_107 : memref<1x50x32xf32, #tpu.memory_space<hbm>> -> memref<50x32xf32, #tpu.memory_space<hbm>>
        %dma_wait3A_109 = arith.constant 0 : i32
        %dma_wait3A_110 = arith.constant 0 : i32
        %dma_wait3A_111 = tpu.memref_slice %arg4[%add3A_33, %dma_wait3A_109, %dma_wait3A_110] : memref<16384x50x32xf32, #tpu.memory_space<hbm>> -> memref<1x50x32xf32, #tpu.memory_space<hbm>>
        %dma_wait3A_112 = tpu.memref_squeeze %dma_wait3A_111 : memref<1x50x32xf32, #tpu.memory_space<hbm>> -> memref<50x32xf32, #tpu.memory_space<hbm>>
        %dma_wait3A_113 = arith.constant 200 : i32
        %dma_wait3A_114 = arith.constant 0 : i32
        %dma_wait3A_115 = tpu.memref_slice %arg6[%dma_wait3A_113, %dma_wait3A_114] : memref<1600x32xf32, #tpu.memory_space<vmem>> -> memref<50x32xf32, #tpu.memory_space<vmem>>
        tpu.wait_dma2 semaphore(%run_scoped3A : memref<!tpu.dma_semaphore, #tpu.memory_space<semaphore_mem>>) src(%dma_wait3A_115 : memref<50x32xf32, #tpu.memory_space<vmem>>) dst(%dma_wait3A_112 : memref<50x32xf32, #tpu.memory_space<hbm>>)
        tpu.yield
      }) : () -> ()
      %add3A_34 = arith.constant 5 : i32
      %add3A_35 = arith.addi %add3A_17, %add3A_34 : i32
      "tpu.region"() ({
        %run_scoped3A = tpu.sem_alloc : memref<!tpu.dma_semaphore, #tpu.memory_space<semaphore_mem>>
        %dma_start3A_88 = arith.constant 250 : i32
        %dma_start3A_89 = arith.constant 0 : i32
        %dma_start3A_90 = tpu.memref_slice %arg6[%dma_start3A_88, %dma_start3A_89] : memref<1600x32xf32, #tpu.memory_space<vmem>> -> memref<50x32xf32, #tpu.memory_space<vmem>>
        %dma_start3A_91 = arith.constant 0 : i32
        %dma_start3A_92 = arith.constant 0 : i32
        %dma_start3A_93 = tpu.memref_slice %arg4[%add3A_35, %dma_start3A_91, %dma_start3A_92] : memref<16384x50x32xf32, #tpu.memory_space<hbm>> -> memref<1x50x32xf32, #tpu.memory_space<hbm>>
        %dma_start3A_94 = tpu.memref_squeeze %dma_start3A_93 : memref<1x50x32xf32, #tpu.memory_space<hbm>> -> memref<50x32xf32, #tpu.memory_space<hbm>>
        %dma_start3A_95 = arith.constant 0 : i32
        %dma_start3A_96 = arith.constant 0 : i32
        %dma_start3A_97 = tpu.memref_slice %arg4[%add3A_35, %dma_start3A_95, %dma_start3A_96] : memref<16384x50x32xf32, #tpu.memory_space<hbm>> -> memref<1x50x32xf32, #tpu.memory_space<hbm>>
        %dma_start3A_98 = tpu.memref_squeeze %dma_start3A_97 : memref<1x50x32xf32, #tpu.memory_space<hbm>> -> memref<50x32xf32, #tpu.memory_space<hbm>>
        %dma_start3A_99 = arith.constant 250 : i32
        %dma_start3A_100 = arith.constant 0 : i32
        %dma_start3A_101 = tpu.memref_slice %arg6[%dma_start3A_99, %dma_start3A_100] : memref<1600x32xf32, #tpu.memory_space<vmem>> -> memref<50x32xf32, #tpu.memory_space<vmem>>
        tpu.enqueue_dma source(%dma_start3A_101 : memref<50x32xf32, #tpu.memory_space<vmem>>) target(%dma_start3A_98 : memref<50x32xf32, #tpu.memory_space<hbm>>) target_semaphore(%run_scoped3A : memref<!tpu.dma_semaphore, #tpu.memory_space<semaphore_mem>>)
        %dma_wait3A_102 = arith.constant 250 : i32
        %dma_wait3A_103 = arith.constant 0 : i32
        %dma_wait3A_104 = tpu.memref_slice %arg6[%dma_wait3A_102, %dma_wait3A_103] : memref<1600x32xf32, #tpu.memory_space<vmem>> -> memref<50x32xf32, #tpu.memory_space<vmem>>
        %dma_wait3A_105 = arith.constant 0 : i32
        %dma_wait3A_106 = arith.constant 0 : i32
        %dma_wait3A_107 = tpu.memref_slice %arg4[%add3A_35, %dma_wait3A_105, %dma_wait3A_106] : memref<16384x50x32xf32, #tpu.memory_space<hbm>> -> memref<1x50x32xf32, #tpu.memory_space<hbm>>
        %dma_wait3A_108 = tpu.memref_squeeze %dma_wait3A_107 : memref<1x50x32xf32, #tpu.memory_space<hbm>> -> memref<50x32xf32, #tpu.memory_space<hbm>>
        %dma_wait3A_109 = arith.constant 0 : i32
        %dma_wait3A_110 = arith.constant 0 : i32
        %dma_wait3A_111 = tpu.memref_slice %arg4[%add3A_35, %dma_wait3A_109, %dma_wait3A_110] : memref<16384x50x32xf32, #tpu.memory_space<hbm>> -> memref<1x50x32xf32, #tpu.memory_space<hbm>>
        %dma_wait3A_112 = tpu.memref_squeeze %dma_wait3A_111 : memref<1x50x32xf32, #tpu.memory_space<hbm>> -> memref<50x32xf32, #tpu.memory_space<hbm>>
        %dma_wait3A_113 = arith.constant 250 : i32
        %dma_wait3A_114 = arith.constant 0 : i32
        %dma_wait3A_115 = tpu.memref_slice %arg6[%dma_wait3A_113, %dma_wait3A_114] : memref<1600x32xf32, #tpu.memory_space<vmem>> -> memref<50x32xf32, #tpu.memory_space<vmem>>
        tpu.wait_dma2 semaphore(%run_scoped3A : memref<!tpu.dma_semaphore, #tpu.memory_space<semaphore_mem>>) src(%dma_wait3A_115 : memref<50x32xf32, #tpu.memory_space<vmem>>) dst(%dma_wait3A_112 : memref<50x32xf32, #tpu.memory_space<hbm>>)
        tpu.yield
      }) : () -> ()
      %add3A_36 = arith.constant 6 : i32
      %add3A_37 = arith.addi %add3A_17, %add3A_36 : i32
      "tpu.region"() ({
        %run_scoped3A = tpu.sem_alloc : memref<!tpu.dma_semaphore, #tpu.memory_space<semaphore_mem>>
        %dma_start3A_88 = arith.constant 300 : i32
        %dma_start3A_89 = arith.constant 0 : i32
        %dma_start3A_90 = tpu.memref_slice %arg6[%dma_start3A_88, %dma_start3A_89] : memref<1600x32xf32, #tpu.memory_space<vmem>> -> memref<50x32xf32, #tpu.memory_space<vmem>>
        %dma_start3A_91 = arith.constant 0 : i32
        %dma_start3A_92 = arith.constant 0 : i32
        %dma_start3A_93 = tpu.memref_slice %arg4[%add3A_37, %dma_start3A_91, %dma_start3A_92] : memref<16384x50x32xf32, #tpu.memory_space<hbm>> -> memref<1x50x32xf32, #tpu.memory_space<hbm>>
        %dma_start3A_94 = tpu.memref_squeeze %dma_start3A_93 : memref<1x50x32xf32, #tpu.memory_space<hbm>> -> memref<50x32xf32, #tpu.memory_space<hbm>>
        %dma_start3A_95 = arith.constant 0 : i32
        %dma_start3A_96 = arith.constant 0 : i32
        %dma_start3A_97 = tpu.memref_slice %arg4[%add3A_37, %dma_start3A_95, %dma_start3A_96] : memref<16384x50x32xf32, #tpu.memory_space<hbm>> -> memref<1x50x32xf32, #tpu.memory_space<hbm>>
        %dma_start3A_98 = tpu.memref_squeeze %dma_start3A_97 : memref<1x50x32xf32, #tpu.memory_space<hbm>> -> memref<50x32xf32, #tpu.memory_space<hbm>>
        %dma_start3A_99 = arith.constant 300 : i32
        %dma_start3A_100 = arith.constant 0 : i32
        %dma_start3A_101 = tpu.memref_slice %arg6[%dma_start3A_99, %dma_start3A_100] : memref<1600x32xf32, #tpu.memory_space<vmem>> -> memref<50x32xf32, #tpu.memory_space<vmem>>
        tpu.enqueue_dma source(%dma_start3A_101 : memref<50x32xf32, #tpu.memory_space<vmem>>) target(%dma_start3A_98 : memref<50x32xf32, #tpu.memory_space<hbm>>) target_semaphore(%run_scoped3A : memref<!tpu.dma_semaphore, #tpu.memory_space<semaphore_mem>>)
        %dma_wait3A_102 = arith.constant 300 : i32
        %dma_wait3A_103 = arith.constant 0 : i32
        %dma_wait3A_104 = tpu.memref_slice %arg6[%dma_wait3A_102, %dma_wait3A_103] : memref<1600x32xf32, #tpu.memory_space<vmem>> -> memref<50x32xf32, #tpu.memory_space<vmem>>
        %dma_wait3A_105 = arith.constant 0 : i32
        %dma_wait3A_106 = arith.constant 0 : i32
        %dma_wait3A_107 = tpu.memref_slice %arg4[%add3A_37, %dma_wait3A_105, %dma_wait3A_106] : memref<16384x50x32xf32, #tpu.memory_space<hbm>> -> memref<1x50x32xf32, #tpu.memory_space<hbm>>
        %dma_wait3A_108 = tpu.memref_squeeze %dma_wait3A_107 : memref<1x50x32xf32, #tpu.memory_space<hbm>> -> memref<50x32xf32, #tpu.memory_space<hbm>>
        %dma_wait3A_109 = arith.constant 0 : i32
        %dma_wait3A_110 = arith.constant 0 : i32
        %dma_wait3A_111 = tpu.memref_slice %arg4[%add3A_37, %dma_wait3A_109, %dma_wait3A_110] : memref<16384x50x32xf32, #tpu.memory_space<hbm>> -> memref<1x50x32xf32, #tpu.memory_space<hbm>>
        %dma_wait3A_112 = tpu.memref_squeeze %dma_wait3A_111 : memref<1x50x32xf32, #tpu.memory_space<hbm>> -> memref<50x32xf32, #tpu.memory_space<hbm>>
        %dma_wait3A_113 = arith.constant 300 : i32
        %dma_wait3A_114 = arith.constant 0 : i32
        %dma_wait3A_115 = tpu.memref_slice %arg6[%dma_wait3A_113, %dma_wait3A_114] : memref<1600x32xf32, #tpu.memory_space<vmem>> -> memref<50x32xf32, #tpu.memory_space<vmem>>
        tpu.wait_dma2 semaphore(%run_scoped3A : memref<!tpu.dma_semaphore, #tpu.memory_space<semaphore_mem>>) src(%dma_wait3A_115 : memref<50x32xf32, #tpu.memory_space<vmem>>) dst(%dma_wait3A_112 : memref<50x32xf32, #tpu.memory_space<hbm>>)
        tpu.yield
      }) : () -> ()
      %add3A_38 = arith.constant 7 : i32
      %add3A_39 = arith.addi %add3A_17, %add3A_38 : i32
      "tpu.region"() ({
        %run_scoped3A = tpu.sem_alloc : memref<!tpu.dma_semaphore, #tpu.memory_space<semaphore_mem>>
        %dma_start3A_88 = arith.constant 350 : i32
        %dma_start3A_89 = arith.constant 0 : i32
        %dma_start3A_90 = tpu.memref_slice %arg6[%dma_start3A_88, %dma_start3A_89] : memref<1600x32xf32, #tpu.memory_space<vmem>> -> memref<50x32xf32, #tpu.memory_space<vmem>>
        %dma_start3A_91 = arith.constant 0 : i32
        %dma_start3A_92 = arith.constant 0 : i32
        %dma_start3A_93 = tpu.memref_slice %arg4[%add3A_39, %dma_start3A_91, %dma_start3A_92] : memref<16384x50x32xf32, #tpu.memory_space<hbm>> -> memref<1x50x32xf32, #tpu.memory_space<hbm>>
        %dma_start3A_94 = tpu.memref_squeeze %dma_start3A_93 : memref<1x50x32xf32, #tpu.memory_space<hbm>> -> memref<50x32xf32, #tpu.memory_space<hbm>>
        %dma_start3A_95 = arith.constant 0 : i32
        %dma_start3A_96 = arith.constant 0 : i32
        %dma_start3A_97 = tpu.memref_slice %arg4[%add3A_39, %dma_start3A_95, %dma_start3A_96] : memref<16384x50x32xf32, #tpu.memory_space<hbm>> -> memref<1x50x32xf32, #tpu.memory_space<hbm>>
        %dma_start3A_98 = tpu.memref_squeeze %dma_start3A_97 : memref<1x50x32xf32, #tpu.memory_space<hbm>> -> memref<50x32xf32, #tpu.memory_space<hbm>>
        %dma_start3A_99 = arith.constant 350 : i32
        %dma_start3A_100 = arith.constant 0 : i32
        %dma_start3A_101 = tpu.memref_slice %arg6[%dma_start3A_99, %dma_start3A_100] : memref<1600x32xf32, #tpu.memory_space<vmem>> -> memref<50x32xf32, #tpu.memory_space<vmem>>
        tpu.enqueue_dma source(%dma_start3A_101 : memref<50x32xf32, #tpu.memory_space<vmem>>) target(%dma_start3A_98 : memref<50x32xf32, #tpu.memory_space<hbm>>) target_semaphore(%run_scoped3A : memref<!tpu.dma_semaphore, #tpu.memory_space<semaphore_mem>>)
        %dma_wait3A_102 = arith.constant 350 : i32
        %dma_wait3A_103 = arith.constant 0 : i32
        %dma_wait3A_104 = tpu.memref_slice %arg6[%dma_wait3A_102, %dma_wait3A_103] : memref<1600x32xf32, #tpu.memory_space<vmem>> -> memref<50x32xf32, #tpu.memory_space<vmem>>
        %dma_wait3A_105 = arith.constant 0 : i32
        %dma_wait3A_106 = arith.constant 0 : i32
        %dma_wait3A_107 = tpu.memref_slice %arg4[%add3A_39, %dma_wait3A_105, %dma_wait3A_106] : memref<16384x50x32xf32, #tpu.memory_space<hbm>> -> memref<1x50x32xf32, #tpu.memory_space<hbm>>
        %dma_wait3A_108 = tpu.memref_squeeze %dma_wait3A_107 : memref<1x50x32xf32, #tpu.memory_space<hbm>> -> memref<50x32xf32, #tpu.memory_space<hbm>>
        %dma_wait3A_109 = arith.constant 0 : i32
        %dma_wait3A_110 = arith.constant 0 : i32
        %dma_wait3A_111 = tpu.memref_slice %arg4[%add3A_39, %dma_wait3A_109, %dma_wait3A_110] : memref<16384x50x32xf32, #tpu.memory_space<hbm>> -> memref<1x50x32xf32, #tpu.memory_space<hbm>>
        %dma_wait3A_112 = tpu.memref_squeeze %dma_wait3A_111 : memref<1x50x32xf32, #tpu.memory_space<hbm>> -> memref<50x32xf32, #tpu.memory_space<hbm>>
        %dma_wait3A_113 = arith.constant 350 : i32
        %dma_wait3A_114 = arith.constant 0 : i32
        %dma_wait3A_115 = tpu.memref_slice %arg6[%dma_wait3A_113, %dma_wait3A_114] : memref<1600x32xf32, #tpu.memory_space<vmem>> -> memref<50x32xf32, #tpu.memory_space<vmem>>
        tpu.wait_dma2 semaphore(%run_scoped3A : memref<!tpu.dma_semaphore, #tpu.memory_space<semaphore_mem>>) src(%dma_wait3A_115 : memref<50x32xf32, #tpu.memory_space<vmem>>) dst(%dma_wait3A_112 : memref<50x32xf32, #tpu.memory_space<hbm>>)
        tpu.yield
      }) : () -> ()
      %add3A_40 = arith.constant 8 : i32
      %add3A_41 = arith.addi %add3A_17, %add3A_40 : i32
      "tpu.region"() ({
        %run_scoped3A = tpu.sem_alloc : memref<!tpu.dma_semaphore, #tpu.memory_space<semaphore_mem>>
        %dma_start3A_88 = arith.constant 400 : i32
        %dma_start3A_89 = arith.constant 0 : i32
        %dma_start3A_90 = tpu.memref_slice %arg6[%dma_start3A_88, %dma_start3A_89] : memref<1600x32xf32, #tpu.memory_space<vmem>> -> memref<50x32xf32, #tpu.memory_space<vmem>>
        %dma_start3A_91 = arith.constant 0 : i32
        %dma_start3A_92 = arith.constant 0 : i32
        %dma_start3A_93 = tpu.memref_slice %arg4[%add3A_41, %dma_start3A_91, %dma_start3A_92] : memref<16384x50x32xf32, #tpu.memory_space<hbm>> -> memref<1x50x32xf32, #tpu.memory_space<hbm>>
        %dma_start3A_94 = tpu.memref_squeeze %dma_start3A_93 : memref<1x50x32xf32, #tpu.memory_space<hbm>> -> memref<50x32xf32, #tpu.memory_space<hbm>>
        %dma_start3A_95 = arith.constant 0 : i32
        %dma_start3A_96 = arith.constant 0 : i32
        %dma_start3A_97 = tpu.memref_slice %arg4[%add3A_41, %dma_start3A_95, %dma_start3A_96] : memref<16384x50x32xf32, #tpu.memory_space<hbm>> -> memref<1x50x32xf32, #tpu.memory_space<hbm>>
        %dma_start3A_98 = tpu.memref_squeeze %dma_start3A_97 : memref<1x50x32xf32, #tpu.memory_space<hbm>> -> memref<50x32xf32, #tpu.memory_space<hbm>>
        %dma_start3A_99 = arith.constant 400 : i32
        %dma_start3A_100 = arith.constant 0 : i32
        %dma_start3A_101 = tpu.memref_slice %arg6[%dma_start3A_99, %dma_start3A_100] : memref<1600x32xf32, #tpu.memory_space<vmem>> -> memref<50x32xf32, #tpu.memory_space<vmem>>
        tpu.enqueue_dma source(%dma_start3A_101 : memref<50x32xf32, #tpu.memory_space<vmem>>) target(%dma_start3A_98 : memref<50x32xf32, #tpu.memory_space<hbm>>) target_semaphore(%run_scoped3A : memref<!tpu.dma_semaphore, #tpu.memory_space<semaphore_mem>>)
        %dma_wait3A_102 = arith.constant 400 : i32
        %dma_wait3A_103 = arith.constant 0 : i32
        %dma_wait3A_104 = tpu.memref_slice %arg6[%dma_wait3A_102, %dma_wait3A_103] : memref<1600x32xf32, #tpu.memory_space<vmem>> -> memref<50x32xf32, #tpu.memory_space<vmem>>
        %dma_wait3A_105 = arith.constant 0 : i32
        %dma_wait3A_106 = arith.constant 0 : i32
        %dma_wait3A_107 = tpu.memref_slice %arg4[%add3A_41, %dma_wait3A_105, %dma_wait3A_106] : memref<16384x50x32xf32, #tpu.memory_space<hbm>> -> memref<1x50x32xf32, #tpu.memory_space<hbm>>
        %dma_wait3A_108 = tpu.memref_squeeze %dma_wait3A_107 : memref<1x50x32xf32, #tpu.memory_space<hbm>> -> memref<50x32xf32, #tpu.memory_space<hbm>>
        %dma_wait3A_109 = arith.constant 0 : i32
        %dma_wait3A_110 = arith.constant 0 : i32
        %dma_wait3A_111 = tpu.memref_slice %arg4[%add3A_41, %dma_wait3A_109, %dma_wait3A_110] : memref<16384x50x32xf32, #tpu.memory_space<hbm>> -> memref<1x50x32xf32, #tpu.memory_space<hbm>>
        %dma_wait3A_112 = tpu.memref_squeeze %dma_wait3A_111 : memref<1x50x32xf32, #tpu.memory_space<hbm>> -> memref<50x32xf32, #tpu.memory_space<hbm>>
        %dma_wait3A_113 = arith.constant 400 : i32
        %dma_wait3A_114 = arith.constant 0 : i32
        %dma_wait3A_115 = tpu.memref_slice %arg6[%dma_wait3A_113, %dma_wait3A_114] : memref<1600x32xf32, #tpu.memory_space<vmem>> -> memref<50x32xf32, #tpu.memory_space<vmem>>
        tpu.wait_dma2 semaphore(%run_scoped3A : memref<!tpu.dma_semaphore, #tpu.memory_space<semaphore_mem>>) src(%dma_wait3A_115 : memref<50x32xf32, #tpu.memory_space<vmem>>) dst(%dma_wait3A_112 : memref<50x32xf32, #tpu.memory_space<hbm>>)
        tpu.yield
      }) : () -> ()
      %add3A_42 = arith.constant 9 : i32
      %add3A_43 = arith.addi %add3A_17, %add3A_42 : i32
      "tpu.region"() ({
        %run_scoped3A = tpu.sem_alloc : memref<!tpu.dma_semaphore, #tpu.memory_space<semaphore_mem>>
        %dma_start3A_88 = arith.constant 450 : i32
        %dma_start3A_89 = arith.constant 0 : i32
        %dma_start3A_90 = tpu.memref_slice %arg6[%dma_start3A_88, %dma_start3A_89] : memref<1600x32xf32, #tpu.memory_space<vmem>> -> memref<50x32xf32, #tpu.memory_space<vmem>>
        %dma_start3A_91 = arith.constant 0 : i32
        %dma_start3A_92 = arith.constant 0 : i32
        %dma_start3A_93 = tpu.memref_slice %arg4[%add3A_43, %dma_start3A_91, %dma_start3A_92] : memref<16384x50x32xf32, #tpu.memory_space<hbm>> -> memref<1x50x32xf32, #tpu.memory_space<hbm>>
        %dma_start3A_94 = tpu.memref_squeeze %dma_start3A_93 : memref<1x50x32xf32, #tpu.memory_space<hbm>> -> memref<50x32xf32, #tpu.memory_space<hbm>>
        %dma_start3A_95 = arith.constant 0 : i32
        %dma_start3A_96 = arith.constant 0 : i32
        %dma_start3A_97 = tpu.memref_slice %arg4[%add3A_43, %dma_start3A_95, %dma_start3A_96] : memref<16384x50x32xf32, #tpu.memory_space<hbm>> -> memref<1x50x32xf32, #tpu.memory_space<hbm>>
        %dma_start3A_98 = tpu.memref_squeeze %dma_start3A_97 : memref<1x50x32xf32, #tpu.memory_space<hbm>> -> memref<50x32xf32, #tpu.memory_space<hbm>>
        %dma_start3A_99 = arith.constant 450 : i32
        %dma_start3A_100 = arith.constant 0 : i32
        %dma_start3A_101 = tpu.memref_slice %arg6[%dma_start3A_99, %dma_start3A_100] : memref<1600x32xf32, #tpu.memory_space<vmem>> -> memref<50x32xf32, #tpu.memory_space<vmem>>
        tpu.enqueue_dma source(%dma_start3A_101 : memref<50x32xf32, #tpu.memory_space<vmem>>) target(%dma_start3A_98 : memref<50x32xf32, #tpu.memory_space<hbm>>) target_semaphore(%run_scoped3A : memref<!tpu.dma_semaphore, #tpu.memory_space<semaphore_mem>>)
        %dma_wait3A_102 = arith.constant 450 : i32
        %dma_wait3A_103 = arith.constant 0 : i32
        %dma_wait3A_104 = tpu.memref_slice %arg6[%dma_wait3A_102, %dma_wait3A_103] : memref<1600x32xf32, #tpu.memory_space<vmem>> -> memref<50x32xf32, #tpu.memory_space<vmem>>
        %dma_wait3A_105 = arith.constant 0 : i32
        %dma_wait3A_106 = arith.constant 0 : i32
        %dma_wait3A_107 = tpu.memref_slice %arg4[%add3A_43, %dma_wait3A_105, %dma_wait3A_106] : memref<16384x50x32xf32, #tpu.memory_space<hbm>> -> memref<1x50x32xf32, #tpu.memory_space<hbm>>
        %dma_wait3A_108 = tpu.memref_squeeze %dma_wait3A_107 : memref<1x50x32xf32, #tpu.memory_space<hbm>> -> memref<50x32xf32, #tpu.memory_space<hbm>>
        %dma_wait3A_109 = arith.constant 0 : i32
        %dma_wait3A_110 = arith.constant 0 : i32
        %dma_wait3A_111 = tpu.memref_slice %arg4[%add3A_43, %dma_wait3A_109, %dma_wait3A_110] : memref<16384x50x32xf32, #tpu.memory_space<hbm>> -> memref<1x50x32xf32, #tpu.memory_space<hbm>>
        %dma_wait3A_112 = tpu.memref_squeeze %dma_wait3A_111 : memref<1x50x32xf32, #tpu.memory_space<hbm>> -> memref<50x32xf32, #tpu.memory_space<hbm>>
        %dma_wait3A_113 = arith.constant 450 : i32
        %dma_wait3A_114 = arith.constant 0 : i32
        %dma_wait3A_115 = tpu.memref_slice %arg6[%dma_wait3A_113, %dma_wait3A_114] : memref<1600x32xf32, #tpu.memory_space<vmem>> -> memref<50x32xf32, #tpu.memory_space<vmem>>
        tpu.wait_dma2 semaphore(%run_scoped3A : memref<!tpu.dma_semaphore, #tpu.memory_space<semaphore_mem>>) src(%dma_wait3A_115 : memref<50x32xf32, #tpu.memory_space<vmem>>) dst(%dma_wait3A_112 : memref<50x32xf32, #tpu.memory_space<hbm>>)
        tpu.yield
      }) : () -> ()
      %add3A_44 = arith.constant 10 : i32
      %add3A_45 = arith.addi %add3A_17, %add3A_44 : i32
      "tpu.region"() ({
        %run_scoped3A = tpu.sem_alloc : memref<!tpu.dma_semaphore, #tpu.memory_space<semaphore_mem>>
        %dma_start3A_88 = arith.constant 500 : i32
        %dma_start3A_89 = arith.constant 0 : i32
        %dma_start3A_90 = tpu.memref_slice %arg6[%dma_start3A_88, %dma_start3A_89] : memref<1600x32xf32, #tpu.memory_space<vmem>> -> memref<50x32xf32, #tpu.memory_space<vmem>>
        %dma_start3A_91 = arith.constant 0 : i32
        %dma_start3A_92 = arith.constant 0 : i32
        %dma_start3A_93 = tpu.memref_slice %arg4[%add3A_45, %dma_start3A_91, %dma_start3A_92] : memref<16384x50x32xf32, #tpu.memory_space<hbm>> -> memref<1x50x32xf32, #tpu.memory_space<hbm>>
        %dma_start3A_94 = tpu.memref_squeeze %dma_start3A_93 : memref<1x50x32xf32, #tpu.memory_space<hbm>> -> memref<50x32xf32, #tpu.memory_space<hbm>>
        %dma_start3A_95 = arith.constant 0 : i32
        %dma_start3A_96 = arith.constant 0 : i32
        %dma_start3A_97 = tpu.memref_slice %arg4[%add3A_45, %dma_start3A_95, %dma_start3A_96] : memref<16384x50x32xf32, #tpu.memory_space<hbm>> -> memref<1x50x32xf32, #tpu.memory_space<hbm>>
        %dma_start3A_98 = tpu.memref_squeeze %dma_start3A_97 : memref<1x50x32xf32, #tpu.memory_space<hbm>> -> memref<50x32xf32, #tpu.memory_space<hbm>>
        %dma_start3A_99 = arith.constant 500 : i32
        %dma_start3A_100 = arith.constant 0 : i32
        %dma_start3A_101 = tpu.memref_slice %arg6[%dma_start3A_99, %dma_start3A_100] : memref<1600x32xf32, #tpu.memory_space<vmem>> -> memref<50x32xf32, #tpu.memory_space<vmem>>
        tpu.enqueue_dma source(%dma_start3A_101 : memref<50x32xf32, #tpu.memory_space<vmem>>) target(%dma_start3A_98 : memref<50x32xf32, #tpu.memory_space<hbm>>) target_semaphore(%run_scoped3A : memref<!tpu.dma_semaphore, #tpu.memory_space<semaphore_mem>>)
        %dma_wait3A_102 = arith.constant 500 : i32
        %dma_wait3A_103 = arith.constant 0 : i32
        %dma_wait3A_104 = tpu.memref_slice %arg6[%dma_wait3A_102, %dma_wait3A_103] : memref<1600x32xf32, #tpu.memory_space<vmem>> -> memref<50x32xf32, #tpu.memory_space<vmem>>
        %dma_wait3A_105 = arith.constant 0 : i32
        %dma_wait3A_106 = arith.constant 0 : i32
        %dma_wait3A_107 = tpu.memref_slice %arg4[%add3A_45, %dma_wait3A_105, %dma_wait3A_106] : memref<16384x50x32xf32, #tpu.memory_space<hbm>> -> memref<1x50x32xf32, #tpu.memory_space<hbm>>
        %dma_wait3A_108 = tpu.memref_squeeze %dma_wait3A_107 : memref<1x50x32xf32, #tpu.memory_space<hbm>> -> memref<50x32xf32, #tpu.memory_space<hbm>>
        %dma_wait3A_109 = arith.constant 0 : i32
        %dma_wait3A_110 = arith.constant 0 : i32
        %dma_wait3A_111 = tpu.memref_slice %arg4[%add3A_45, %dma_wait3A_109, %dma_wait3A_110] : memref<16384x50x32xf32, #tpu.memory_space<hbm>> -> memref<1x50x32xf32, #tpu.memory_space<hbm>>
        %dma_wait3A_112 = tpu.memref_squeeze %dma_wait3A_111 : memref<1x50x32xf32, #tpu.memory_space<hbm>> -> memref<50x32xf32, #tpu.memory_space<hbm>>
        %dma_wait3A_113 = arith.constant 500 : i32
        %dma_wait3A_114 = arith.constant 0 : i32
        %dma_wait3A_115 = tpu.memref_slice %arg6[%dma_wait3A_113, %dma_wait3A_114] : memref<1600x32xf32, #tpu.memory_space<vmem>> -> memref<50x32xf32, #tpu.memory_space<vmem>>
        tpu.wait_dma2 semaphore(%run_scoped3A : memref<!tpu.dma_semaphore, #tpu.memory_space<semaphore_mem>>) src(%dma_wait3A_115 : memref<50x32xf32, #tpu.memory_space<vmem>>) dst(%dma_wait3A_112 : memref<50x32xf32, #tpu.memory_space<hbm>>)
        tpu.yield
      }) : () -> ()
      %add3A_46 = arith.constant 11 : i32
      %add3A_47 = arith.addi %add3A_17, %add3A_46 : i32
      "tpu.region"() ({
        %run_scoped3A = tpu.sem_alloc : memref<!tpu.dma_semaphore, #tpu.memory_space<semaphore_mem>>
        %dma_start3A_88 = arith.constant 550 : i32
        %dma_start3A_89 = arith.constant 0 : i32
        %dma_start3A_90 = tpu.memref_slice %arg6[%dma_start3A_88, %dma_start3A_89] : memref<1600x32xf32, #tpu.memory_space<vmem>> -> memref<50x32xf32, #tpu.memory_space<vmem>>
        %dma_start3A_91 = arith.constant 0 : i32
        %dma_start3A_92 = arith.constant 0 : i32
        %dma_start3A_93 = tpu.memref_slice %arg4[%add3A_47, %dma_start3A_91, %dma_start3A_92] : memref<16384x50x32xf32, #tpu.memory_space<hbm>> -> memref<1x50x32xf32, #tpu.memory_space<hbm>>
        %dma_start3A_94 = tpu.memref_squeeze %dma_start3A_93 : memref<1x50x32xf32, #tpu.memory_space<hbm>> -> memref<50x32xf32, #tpu.memory_space<hbm>>
        %dma_start3A_95 = arith.constant 0 : i32
        %dma_start3A_96 = arith.constant 0 : i32
        %dma_start3A_97 = tpu.memref_slice %arg4[%add3A_47, %dma_start3A_95, %dma_start3A_96] : memref<16384x50x32xf32, #tpu.memory_space<hbm>> -> memref<1x50x32xf32, #tpu.memory_space<hbm>>
        %dma_start3A_98 = tpu.memref_squeeze %dma_start3A_97 : memref<1x50x32xf32, #tpu.memory_space<hbm>> -> memref<50x32xf32, #tpu.memory_space<hbm>>
        %dma_start3A_99 = arith.constant 550 : i32
        %dma_start3A_100 = arith.constant 0 : i32
        %dma_start3A_101 = tpu.memref_slice %arg6[%dma_start3A_99, %dma_start3A_100] : memref<1600x32xf32, #tpu.memory_space<vmem>> -> memref<50x32xf32, #tpu.memory_space<vmem>>
        tpu.enqueue_dma source(%dma_start3A_101 : memref<50x32xf32, #tpu.memory_space<vmem>>) target(%dma_start3A_98 : memref<50x32xf32, #tpu.memory_space<hbm>>) target_semaphore(%run_scoped3A : memref<!tpu.dma_semaphore, #tpu.memory_space<semaphore_mem>>)
        %dma_wait3A_102 = arith.constant 550 : i32
        %dma_wait3A_103 = arith.constant 0 : i32
        %dma_wait3A_104 = tpu.memref_slice %arg6[%dma_wait3A_102, %dma_wait3A_103] : memref<1600x32xf32, #tpu.memory_space<vmem>> -> memref<50x32xf32, #tpu.memory_space<vmem>>
        %dma_wait3A_105 = arith.constant 0 : i32
        %dma_wait3A_106 = arith.constant 0 : i32
        %dma_wait3A_107 = tpu.memref_slice %arg4[%add3A_47, %dma_wait3A_105, %dma_wait3A_106] : memref<16384x50x32xf32, #tpu.memory_space<hbm>> -> memref<1x50x32xf32, #tpu.memory_space<hbm>>
        %dma_wait3A_108 = tpu.memref_squeeze %dma_wait3A_107 : memref<1x50x32xf32, #tpu.memory_space<hbm>> -> memref<50x32xf32, #tpu.memory_space<hbm>>
        %dma_wait3A_109 = arith.constant 0 : i32
        %dma_wait3A_110 = arith.constant 0 : i32
        %dma_wait3A_111 = tpu.memref_slice %arg4[%add3A_47, %dma_wait3A_109, %dma_wait3A_110] : memref<16384x50x32xf32, #tpu.memory_space<hbm>> -> memref<1x50x32xf32, #tpu.memory_space<hbm>>
        %dma_wait3A_112 = tpu.memref_squeeze %dma_wait3A_111 : memref<1x50x32xf32, #tpu.memory_space<hbm>> -> memref<50x32xf32, #tpu.memory_space<hbm>>
        %dma_wait3A_113 = arith.constant 550 : i32
        %dma_wait3A_114 = arith.constant 0 : i32
        %dma_wait3A_115 = tpu.memref_slice %arg6[%dma_wait3A_113, %dma_wait3A_114] : memref<1600x32xf32, #tpu.memory_space<vmem>> -> memref<50x32xf32, #tpu.memory_space<vmem>>
        tpu.wait_dma2 semaphore(%run_scoped3A : memref<!tpu.dma_semaphore, #tpu.memory_space<semaphore_mem>>) src(%dma_wait3A_115 : memref<50x32xf32, #tpu.memory_space<vmem>>) dst(%dma_wait3A_112 : memref<50x32xf32, #tpu.memory_space<hbm>>)
        tpu.yield
      }) : () -> ()
      %add3A_48 = arith.constant 12 : i32
      %add3A_49 = arith.addi %add3A_17, %add3A_48 : i32
      "tpu.region"() ({
        %run_scoped3A = tpu.sem_alloc : memref<!tpu.dma_semaphore, #tpu.memory_space<semaphore_mem>>
        %dma_start3A_88 = arith.constant 600 : i32
        %dma_start3A_89 = arith.constant 0 : i32
        %dma_start3A_90 = tpu.memref_slice %arg6[%dma_start3A_88, %dma_start3A_89] : memref<1600x32xf32, #tpu.memory_space<vmem>> -> memref<50x32xf32, #tpu.memory_space<vmem>>
        %dma_start3A_91 = arith.constant 0 : i32
        %dma_start3A_92 = arith.constant 0 : i32
        %dma_start3A_93 = tpu.memref_slice %arg4[%add3A_49, %dma_start3A_91, %dma_start3A_92] : memref<16384x50x32xf32, #tpu.memory_space<hbm>> -> memref<1x50x32xf32, #tpu.memory_space<hbm>>
        %dma_start3A_94 = tpu.memref_squeeze %dma_start3A_93 : memref<1x50x32xf32, #tpu.memory_space<hbm>> -> memref<50x32xf32, #tpu.memory_space<hbm>>
        %dma_start3A_95 = arith.constant 0 : i32
        %dma_start3A_96 = arith.constant 0 : i32
        %dma_start3A_97 = tpu.memref_slice %arg4[%add3A_49, %dma_start3A_95, %dma_start3A_96] : memref<16384x50x32xf32, #tpu.memory_space<hbm>> -> memref<1x50x32xf32, #tpu.memory_space<hbm>>
        %dma_start3A_98 = tpu.memref_squeeze %dma_start3A_97 : memref<1x50x32xf32, #tpu.memory_space<hbm>> -> memref<50x32xf32, #tpu.memory_space<hbm>>
        %dma_start3A_99 = arith.constant 600 : i32
        %dma_start3A_100 = arith.constant 0 : i32
        %dma_start3A_101 = tpu.memref_slice %arg6[%dma_start3A_99, %dma_start3A_100] : memref<1600x32xf32, #tpu.memory_space<vmem>> -> memref<50x32xf32, #tpu.memory_space<vmem>>
        tpu.enqueue_dma source(%dma_start3A_101 : memref<50x32xf32, #tpu.memory_space<vmem>>) target(%dma_start3A_98 : memref<50x32xf32, #tpu.memory_space<hbm>>) target_semaphore(%run_scoped3A : memref<!tpu.dma_semaphore, #tpu.memory_space<semaphore_mem>>)
        %dma_wait3A_102 = arith.constant 600 : i32
        %dma_wait3A_103 = arith.constant 0 : i32
        %dma_wait3A_104 = tpu.memref_slice %arg6[%dma_wait3A_102, %dma_wait3A_103] : memref<1600x32xf32, #tpu.memory_space<vmem>> -> memref<50x32xf32, #tpu.memory_space<vmem>>
        %dma_wait3A_105 = arith.constant 0 : i32
        %dma_wait3A_106 = arith.constant 0 : i32
        %dma_wait3A_107 = tpu.memref_slice %arg4[%add3A_49, %dma_wait3A_105, %dma_wait3A_106] : memref<16384x50x32xf32, #tpu.memory_space<hbm>> -> memref<1x50x32xf32, #tpu.memory_space<hbm>>
        %dma_wait3A_108 = tpu.memref_squeeze %dma_wait3A_107 : memref<1x50x32xf32, #tpu.memory_space<hbm>> -> memref<50x32xf32, #tpu.memory_space<hbm>>
        %dma_wait3A_109 = arith.constant 0 : i32
        %dma_wait3A_110 = arith.constant 0 : i32
        %dma_wait3A_111 = tpu.memref_slice %arg4[%add3A_49, %dma_wait3A_109, %dma_wait3A_110] : memref<16384x50x32xf32, #tpu.memory_space<hbm>> -> memref<1x50x32xf32, #tpu.memory_space<hbm>>
        %dma_wait3A_112 = tpu.memref_squeeze %dma_wait3A_111 : memref<1x50x32xf32, #tpu.memory_space<hbm>> -> memref<50x32xf32, #tpu.memory_space<hbm>>
        %dma_wait3A_113 = arith.constant 600 : i32
        %dma_wait3A_114 = arith.constant 0 : i32
        %dma_wait3A_115 = tpu.memref_slice %arg6[%dma_wait3A_113, %dma_wait3A_114] : memref<1600x32xf32, #tpu.memory_space<vmem>> -> memref<50x32xf32, #tpu.memory_space<vmem>>
        tpu.wait_dma2 semaphore(%run_scoped3A : memref<!tpu.dma_semaphore, #tpu.memory_space<semaphore_mem>>) src(%dma_wait3A_115 : memref<50x32xf32, #tpu.memory_space<vmem>>) dst(%dma_wait3A_112 : memref<50x32xf32, #tpu.memory_space<hbm>>)
        tpu.yield
      }) : () -> ()
      %add3A_50 = arith.constant 13 : i32
      %add3A_51 = arith.addi %add3A_17, %add3A_50 : i32
      "tpu.region"() ({
        %run_scoped3A = tpu.sem_alloc : memref<!tpu.dma_semaphore, #tpu.memory_space<semaphore_mem>>
        %dma_start3A_88 = arith.constant 650 : i32
        %dma_start3A_89 = arith.constant 0 : i32
        %dma_start3A_90 = tpu.memref_slice %arg6[%dma_start3A_88, %dma_start3A_89] : memref<1600x32xf32, #tpu.memory_space<vmem>> -> memref<50x32xf32, #tpu.memory_space<vmem>>
        %dma_start3A_91 = arith.constant 0 : i32
        %dma_start3A_92 = arith.constant 0 : i32
        %dma_start3A_93 = tpu.memref_slice %arg4[%add3A_51, %dma_start3A_91, %dma_start3A_92] : memref<16384x50x32xf32, #tpu.memory_space<hbm>> -> memref<1x50x32xf32, #tpu.memory_space<hbm>>
        %dma_start3A_94 = tpu.memref_squeeze %dma_start3A_93 : memref<1x50x32xf32, #tpu.memory_space<hbm>> -> memref<50x32xf32, #tpu.memory_space<hbm>>
        %dma_start3A_95 = arith.constant 0 : i32
        %dma_start3A_96 = arith.constant 0 : i32
        %dma_start3A_97 = tpu.memref_slice %arg4[%add3A_51, %dma_start3A_95, %dma_start3A_96] : memref<16384x50x32xf32, #tpu.memory_space<hbm>> -> memref<1x50x32xf32, #tpu.memory_space<hbm>>
        %dma_start3A_98 = tpu.memref_squeeze %dma_start3A_97 : memref<1x50x32xf32, #tpu.memory_space<hbm>> -> memref<50x32xf32, #tpu.memory_space<hbm>>
        %dma_start3A_99 = arith.constant 650 : i32
        %dma_start3A_100 = arith.constant 0 : i32
        %dma_start3A_101 = tpu.memref_slice %arg6[%dma_start3A_99, %dma_start3A_100] : memref<1600x32xf32, #tpu.memory_space<vmem>> -> memref<50x32xf32, #tpu.memory_space<vmem>>
        tpu.enqueue_dma source(%dma_start3A_101 : memref<50x32xf32, #tpu.memory_space<vmem>>) target(%dma_start3A_98 : memref<50x32xf32, #tpu.memory_space<hbm>>) target_semaphore(%run_scoped3A : memref<!tpu.dma_semaphore, #tpu.memory_space<semaphore_mem>>)
        %dma_wait3A_102 = arith.constant 650 : i32
        %dma_wait3A_103 = arith.constant 0 : i32
        %dma_wait3A_104 = tpu.memref_slice %arg6[%dma_wait3A_102, %dma_wait3A_103] : memref<1600x32xf32, #tpu.memory_space<vmem>> -> memref<50x32xf32, #tpu.memory_space<vmem>>
        %dma_wait3A_105 = arith.constant 0 : i32
        %dma_wait3A_106 = arith.constant 0 : i32
        %dma_wait3A_107 = tpu.memref_slice %arg4[%add3A_51, %dma_wait3A_105, %dma_wait3A_106] : memref<16384x50x32xf32, #tpu.memory_space<hbm>> -> memref<1x50x32xf32, #tpu.memory_space<hbm>>
        %dma_wait3A_108 = tpu.memref_squeeze %dma_wait3A_107 : memref<1x50x32xf32, #tpu.memory_space<hbm>> -> memref<50x32xf32, #tpu.memory_space<hbm>>
        %dma_wait3A_109 = arith.constant 0 : i32
        %dma_wait3A_110 = arith.constant 0 : i32
        %dma_wait3A_111 = tpu.memref_slice %arg4[%add3A_51, %dma_wait3A_109, %dma_wait3A_110] : memref<16384x50x32xf32, #tpu.memory_space<hbm>> -> memref<1x50x32xf32, #tpu.memory_space<hbm>>
        %dma_wait3A_112 = tpu.memref_squeeze %dma_wait3A_111 : memref<1x50x32xf32, #tpu.memory_space<hbm>> -> memref<50x32xf32, #tpu.memory_space<hbm>>
        %dma_wait3A_113 = arith.constant 650 : i32
        %dma_wait3A_114 = arith.constant 0 : i32
        %dma_wait3A_115 = tpu.memref_slice %arg6[%dma_wait3A_113, %dma_wait3A_114] : memref<1600x32xf32, #tpu.memory_space<vmem>> -> memref<50x32xf32, #tpu.memory_space<vmem>>
        tpu.wait_dma2 semaphore(%run_scoped3A : memref<!tpu.dma_semaphore, #tpu.memory_space<semaphore_mem>>) src(%dma_wait3A_115 : memref<50x32xf32, #tpu.memory_space<vmem>>) dst(%dma_wait3A_112 : memref<50x32xf32, #tpu.memory_space<hbm>>)
        tpu.yield
      }) : () -> ()
      %add3A_52 = arith.constant 14 : i32
      %add3A_53 = arith.addi %add3A_17, %add3A_52 : i32
      "tpu.region"() ({
        %run_scoped3A = tpu.sem_alloc : memref<!tpu.dma_semaphore, #tpu.memory_space<semaphore_mem>>
        %dma_start3A_88 = arith.constant 700 : i32
        %dma_start3A_89 = arith.constant 0 : i32
        %dma_start3A_90 = tpu.memref_slice %arg6[%dma_start3A_88, %dma_start3A_89] : memref<1600x32xf32, #tpu.memory_space<vmem>> -> memref<50x32xf32, #tpu.memory_space<vmem>>
        %dma_start3A_91 = arith.constant 0 : i32
        %dma_start3A_92 = arith.constant 0 : i32
        %dma_start3A_93 = tpu.memref_slice %arg4[%add3A_53, %dma_start3A_91, %dma_start3A_92] : memref<16384x50x32xf32, #tpu.memory_space<hbm>> -> memref<1x50x32xf32, #tpu.memory_space<hbm>>
        %dma_start3A_94 = tpu.memref_squeeze %dma_start3A_93 : memref<1x50x32xf32, #tpu.memory_space<hbm>> -> memref<50x32xf32, #tpu.memory_space<hbm>>
        %dma_start3A_95 = arith.constant 0 : i32
        %dma_start3A_96 = arith.constant 0 : i32
        %dma_start3A_97 = tpu.memref_slice %arg4[%add3A_53, %dma_start3A_95, %dma_start3A_96] : memref<16384x50x32xf32, #tpu.memory_space<hbm>> -> memref<1x50x32xf32, #tpu.memory_space<hbm>>
        %dma_start3A_98 = tpu.memref_squeeze %dma_start3A_97 : memref<1x50x32xf32, #tpu.memory_space<hbm>> -> memref<50x32xf32, #tpu.memory_space<hbm>>
        %dma_start3A_99 = arith.constant 700 : i32
        %dma_start3A_100 = arith.constant 0 : i32
        %dma_start3A_101 = tpu.memref_slice %arg6[%dma_start3A_99, %dma_start3A_100] : memref<1600x32xf32, #tpu.memory_space<vmem>> -> memref<50x32xf32, #tpu.memory_space<vmem>>
        tpu.enqueue_dma source(%dma_start3A_101 : memref<50x32xf32, #tpu.memory_space<vmem>>) target(%dma_start3A_98 : memref<50x32xf32, #tpu.memory_space<hbm>>) target_semaphore(%run_scoped3A : memref<!tpu.dma_semaphore, #tpu.memory_space<semaphore_mem>>)
        %dma_wait3A_102 = arith.constant 700 : i32
        %dma_wait3A_103 = arith.constant 0 : i32
        %dma_wait3A_104 = tpu.memref_slice %arg6[%dma_wait3A_102, %dma_wait3A_103] : memref<1600x32xf32, #tpu.memory_space<vmem>> -> memref<50x32xf32, #tpu.memory_space<vmem>>
        %dma_wait3A_105 = arith.constant 0 : i32
        %dma_wait3A_106 = arith.constant 0 : i32
        %dma_wait3A_107 = tpu.memref_slice %arg4[%add3A_53, %dma_wait3A_105, %dma_wait3A_106] : memref<16384x50x32xf32, #tpu.memory_space<hbm>> -> memref<1x50x32xf32, #tpu.memory_space<hbm>>
        %dma_wait3A_108 = tpu.memref_squeeze %dma_wait3A_107 : memref<1x50x32xf32, #tpu.memory_space<hbm>> -> memref<50x32xf32, #tpu.memory_space<hbm>>
        %dma_wait3A_109 = arith.constant 0 : i32
        %dma_wait3A_110 = arith.constant 0 : i32
        %dma_wait3A_111 = tpu.memref_slice %arg4[%add3A_53, %dma_wait3A_109, %dma_wait3A_110] : memref<16384x50x32xf32, #tpu.memory_space<hbm>> -> memref<1x50x32xf32, #tpu.memory_space<hbm>>
        %dma_wait3A_112 = tpu.memref_squeeze %dma_wait3A_111 : memref<1x50x32xf32, #tpu.memory_space<hbm>> -> memref<50x32xf32, #tpu.memory_space<hbm>>
        %dma_wait3A_113 = arith.constant 700 : i32
        %dma_wait3A_114 = arith.constant 0 : i32
        %dma_wait3A_115 = tpu.memref_slice %arg6[%dma_wait3A_113, %dma_wait3A_114] : memref<1600x32xf32, #tpu.memory_space<vmem>> -> memref<50x32xf32, #tpu.memory_space<vmem>>
        tpu.wait_dma2 semaphore(%run_scoped3A : memref<!tpu.dma_semaphore, #tpu.memory_space<semaphore_mem>>) src(%dma_wait3A_115 : memref<50x32xf32, #tpu.memory_space<vmem>>) dst(%dma_wait3A_112 : memref<50x32xf32, #tpu.memory_space<hbm>>)
        tpu.yield
      }) : () -> ()
      %add3A_54 = arith.constant 15 : i32
      %add3A_55 = arith.addi %add3A_17, %add3A_54 : i32
      "tpu.region"() ({
        %run_scoped3A = tpu.sem_alloc : memref<!tpu.dma_semaphore, #tpu.memory_space<semaphore_mem>>
        %dma_start3A_88 = arith.constant 750 : i32
        %dma_start3A_89 = arith.constant 0 : i32
        %dma_start3A_90 = tpu.memref_slice %arg6[%dma_start3A_88, %dma_start3A_89] : memref<1600x32xf32, #tpu.memory_space<vmem>> -> memref<50x32xf32, #tpu.memory_space<vmem>>
        %dma_start3A_91 = arith.constant 0 : i32
        %dma_start3A_92 = arith.constant 0 : i32
        %dma_start3A_93 = tpu.memref_slice %arg4[%add3A_55, %dma_start3A_91, %dma_start3A_92] : memref<16384x50x32xf32, #tpu.memory_space<hbm>> -> memref<1x50x32xf32, #tpu.memory_space<hbm>>
        %dma_start3A_94 = tpu.memref_squeeze %dma_start3A_93 : memref<1x50x32xf32, #tpu.memory_space<hbm>> -> memref<50x32xf32, #tpu.memory_space<hbm>>
        %dma_start3A_95 = arith.constant 0 : i32
        %dma_start3A_96 = arith.constant 0 : i32
        %dma_start3A_97 = tpu.memref_slice %arg4[%add3A_55, %dma_start3A_95, %dma_start3A_96] : memref<16384x50x32xf32, #tpu.memory_space<hbm>> -> memref<1x50x32xf32, #tpu.memory_space<hbm>>
        %dma_start3A_98 = tpu.memref_squeeze %dma_start3A_97 : memref<1x50x32xf32, #tpu.memory_space<hbm>> -> memref<50x32xf32, #tpu.memory_space<hbm>>
        %dma_start3A_99 = arith.constant 750 : i32
        %dma_start3A_100 = arith.constant 0 : i32
        %dma_start3A_101 = tpu.memref_slice %arg6[%dma_start3A_99, %dma_start3A_100] : memref<1600x32xf32, #tpu.memory_space<vmem>> -> memref<50x32xf32, #tpu.memory_space<vmem>>
        tpu.enqueue_dma source(%dma_start3A_101 : memref<50x32xf32, #tpu.memory_space<vmem>>) target(%dma_start3A_98 : memref<50x32xf32, #tpu.memory_space<hbm>>) target_semaphore(%run_scoped3A : memref<!tpu.dma_semaphore, #tpu.memory_space<semaphore_mem>>)
        %dma_wait3A_102 = arith.constant 750 : i32
        %dma_wait3A_103 = arith.constant 0 : i32
        %dma_wait3A_104 = tpu.memref_slice %arg6[%dma_wait3A_102, %dma_wait3A_103] : memref<1600x32xf32, #tpu.memory_space<vmem>> -> memref<50x32xf32, #tpu.memory_space<vmem>>
        %dma_wait3A_105 = arith.constant 0 : i32
        %dma_wait3A_106 = arith.constant 0 : i32
        %dma_wait3A_107 = tpu.memref_slice %arg4[%add3A_55, %dma_wait3A_105, %dma_wait3A_106] : memref<16384x50x32xf32, #tpu.memory_space<hbm>> -> memref<1x50x32xf32, #tpu.memory_space<hbm>>
        %dma_wait3A_108 = tpu.memref_squeeze %dma_wait3A_107 : memref<1x50x32xf32, #tpu.memory_space<hbm>> -> memref<50x32xf32, #tpu.memory_space<hbm>>
        %dma_wait3A_109 = arith.constant 0 : i32
        %dma_wait3A_110 = arith.constant 0 : i32
        %dma_wait3A_111 = tpu.memref_slice %arg4[%add3A_55, %dma_wait3A_109, %dma_wait3A_110] : memref<16384x50x32xf32, #tpu.memory_space<hbm>> -> memref<1x50x32xf32, #tpu.memory_space<hbm>>
        %dma_wait3A_112 = tpu.memref_squeeze %dma_wait3A_111 : memref<1x50x32xf32, #tpu.memory_space<hbm>> -> memref<50x32xf32, #tpu.memory_space<hbm>>
        %dma_wait3A_113 = arith.constant 750 : i32
        %dma_wait3A_114 = arith.constant 0 : i32
        %dma_wait3A_115 = tpu.memref_slice %arg6[%dma_wait3A_113, %dma_wait3A_114] : memref<1600x32xf32, #tpu.memory_space<vmem>> -> memref<50x32xf32, #tpu.memory_space<vmem>>
        tpu.wait_dma2 semaphore(%run_scoped3A : memref<!tpu.dma_semaphore, #tpu.memory_space<semaphore_mem>>) src(%dma_wait3A_115 : memref<50x32xf32, #tpu.memory_space<vmem>>) dst(%dma_wait3A_112 : memref<50x32xf32, #tpu.memory_space<hbm>>)
        tpu.yield
      }) : () -> ()
      %add3A_56 = arith.constant 16 : i32
      %add3A_57 = arith.addi %add3A_17, %add3A_56 : i32
      "tpu.region"() ({
        %run_scoped3A = tpu.sem_alloc : memref<!tpu.dma_semaphore, #tpu.memory_space<semaphore_mem>>
        %dma_start3A_88 = arith.constant 800 : i32
        %dma_start3A_89 = arith.constant 0 : i32
        %dma_start3A_90 = tpu.memref_slice %arg6[%dma_start3A_88, %dma_start3A_89] : memref<1600x32xf32, #tpu.memory_space<vmem>> -> memref<50x32xf32, #tpu.memory_space<vmem>>
        %dma_start3A_91 = arith.constant 0 : i32
        %dma_start3A_92 = arith.constant 0 : i32
        %dma_start3A_93 = tpu.memref_slice %arg4[%add3A_57, %dma_start3A_91, %dma_start3A_92] : memref<16384x50x32xf32, #tpu.memory_space<hbm>> -> memref<1x50x32xf32, #tpu.memory_space<hbm>>
        %dma_start3A_94 = tpu.memref_squeeze %dma_start3A_93 : memref<1x50x32xf32, #tpu.memory_space<hbm>> -> memref<50x32xf32, #tpu.memory_space<hbm>>
        %dma_start3A_95 = arith.constant 0 : i32
        %dma_start3A_96 = arith.constant 0 : i32
        %dma_start3A_97 = tpu.memref_slice %arg4[%add3A_57, %dma_start3A_95, %dma_start3A_96] : memref<16384x50x32xf32, #tpu.memory_space<hbm>> -> memref<1x50x32xf32, #tpu.memory_space<hbm>>
        %dma_start3A_98 = tpu.memref_squeeze %dma_start3A_97 : memref<1x50x32xf32, #tpu.memory_space<hbm>> -> memref<50x32xf32, #tpu.memory_space<hbm>>
        %dma_start3A_99 = arith.constant 800 : i32
        %dma_start3A_100 = arith.constant 0 : i32
        %dma_start3A_101 = tpu.memref_slice %arg6[%dma_start3A_99, %dma_start3A_100] : memref<1600x32xf32, #tpu.memory_space<vmem>> -> memref<50x32xf32, #tpu.memory_space<vmem>>
        tpu.enqueue_dma source(%dma_start3A_101 : memref<50x32xf32, #tpu.memory_space<vmem>>) target(%dma_start3A_98 : memref<50x32xf32, #tpu.memory_space<hbm>>) target_semaphore(%run_scoped3A : memref<!tpu.dma_semaphore, #tpu.memory_space<semaphore_mem>>)
        %dma_wait3A_102 = arith.constant 800 : i32
        %dma_wait3A_103 = arith.constant 0 : i32
        %dma_wait3A_104 = tpu.memref_slice %arg6[%dma_wait3A_102, %dma_wait3A_103] : memref<1600x32xf32, #tpu.memory_space<vmem>> -> memref<50x32xf32, #tpu.memory_space<vmem>>
        %dma_wait3A_105 = arith.constant 0 : i32
        %dma_wait3A_106 = arith.constant 0 : i32
        %dma_wait3A_107 = tpu.memref_slice %arg4[%add3A_57, %dma_wait3A_105, %dma_wait3A_106] : memref<16384x50x32xf32, #tpu.memory_space<hbm>> -> memref<1x50x32xf32, #tpu.memory_space<hbm>>
        %dma_wait3A_108 = tpu.memref_squeeze %dma_wait3A_107 : memref<1x50x32xf32, #tpu.memory_space<hbm>> -> memref<50x32xf32, #tpu.memory_space<hbm>>
        %dma_wait3A_109 = arith.constant 0 : i32
        %dma_wait3A_110 = arith.constant 0 : i32
        %dma_wait3A_111 = tpu.memref_slice %arg4[%add3A_57, %dma_wait3A_109, %dma_wait3A_110] : memref<16384x50x32xf32, #tpu.memory_space<hbm>> -> memref<1x50x32xf32, #tpu.memory_space<hbm>>
        %dma_wait3A_112 = tpu.memref_squeeze %dma_wait3A_111 : memref<1x50x32xf32, #tpu.memory_space<hbm>> -> memref<50x32xf32, #tpu.memory_space<hbm>>
        %dma_wait3A_113 = arith.constant 800 : i32
        %dma_wait3A_114 = arith.constant 0 : i32
        %dma_wait3A_115 = tpu.memref_slice %arg6[%dma_wait3A_113, %dma_wait3A_114] : memref<1600x32xf32, #tpu.memory_space<vmem>> -> memref<50x32xf32, #tpu.memory_space<vmem>>
        tpu.wait_dma2 semaphore(%run_scoped3A : memref<!tpu.dma_semaphore, #tpu.memory_space<semaphore_mem>>) src(%dma_wait3A_115 : memref<50x32xf32, #tpu.memory_space<vmem>>) dst(%dma_wait3A_112 : memref<50x32xf32, #tpu.memory_space<hbm>>)
        tpu.yield
      }) : () -> ()
      %add3A_58 = arith.constant 17 : i32
      %add3A_59 = arith.addi %add3A_17, %add3A_58 : i32
      "tpu.region"() ({
        %run_scoped3A = tpu.sem_alloc : memref<!tpu.dma_semaphore, #tpu.memory_space<semaphore_mem>>
        %dma_start3A_88 = arith.constant 850 : i32
        %dma_start3A_89 = arith.constant 0 : i32
        %dma_start3A_90 = tpu.memref_slice %arg6[%dma_start3A_88, %dma_start3A_89] : memref<1600x32xf32, #tpu.memory_space<vmem>> -> memref<50x32xf32, #tpu.memory_space<vmem>>
        %dma_start3A_91 = arith.constant 0 : i32
        %dma_start3A_92 = arith.constant 0 : i32
        %dma_start3A_93 = tpu.memref_slice %arg4[%add3A_59, %dma_start3A_91, %dma_start3A_92] : memref<16384x50x32xf32, #tpu.memory_space<hbm>> -> memref<1x50x32xf32, #tpu.memory_space<hbm>>
        %dma_start3A_94 = tpu.memref_squeeze %dma_start3A_93 : memref<1x50x32xf32, #tpu.memory_space<hbm>> -> memref<50x32xf32, #tpu.memory_space<hbm>>
        %dma_start3A_95 = arith.constant 0 : i32
        %dma_start3A_96 = arith.constant 0 : i32
        %dma_start3A_97 = tpu.memref_slice %arg4[%add3A_59, %dma_start3A_95, %dma_start3A_96] : memref<16384x50x32xf32, #tpu.memory_space<hbm>> -> memref<1x50x32xf32, #tpu.memory_space<hbm>>
        %dma_start3A_98 = tpu.memref_squeeze %dma_start3A_97 : memref<1x50x32xf32, #tpu.memory_space<hbm>> -> memref<50x32xf32, #tpu.memory_space<hbm>>
        %dma_start3A_99 = arith.constant 850 : i32
        %dma_start3A_100 = arith.constant 0 : i32
        %dma_start3A_101 = tpu.memref_slice %arg6[%dma_start3A_99, %dma_start3A_100] : memref<1600x32xf32, #tpu.memory_space<vmem>> -> memref<50x32xf32, #tpu.memory_space<vmem>>
        tpu.enqueue_dma source(%dma_start3A_101 : memref<50x32xf32, #tpu.memory_space<vmem>>) target(%dma_start3A_98 : memref<50x32xf32, #tpu.memory_space<hbm>>) target_semaphore(%run_scoped3A : memref<!tpu.dma_semaphore, #tpu.memory_space<semaphore_mem>>)
        %dma_wait3A_102 = arith.constant 850 : i32
        %dma_wait3A_103 = arith.constant 0 : i32
        %dma_wait3A_104 = tpu.memref_slice %arg6[%dma_wait3A_102, %dma_wait3A_103] : memref<1600x32xf32, #tpu.memory_space<vmem>> -> memref<50x32xf32, #tpu.memory_space<vmem>>
        %dma_wait3A_105 = arith.constant 0 : i32
        %dma_wait3A_106 = arith.constant 0 : i32
        %dma_wait3A_107 = tpu.memref_slice %arg4[%add3A_59, %dma_wait3A_105, %dma_wait3A_106] : memref<16384x50x32xf32, #tpu.memory_space<hbm>> -> memref<1x50x32xf32, #tpu.memory_space<hbm>>
        %dma_wait3A_108 = tpu.memref_squeeze %dma_wait3A_107 : memref<1x50x32xf32, #tpu.memory_space<hbm>> -> memref<50x32xf32, #tpu.memory_space<hbm>>
        %dma_wait3A_109 = arith.constant 0 : i32
        %dma_wait3A_110 = arith.constant 0 : i32
        %dma_wait3A_111 = tpu.memref_slice %arg4[%add3A_59, %dma_wait3A_109, %dma_wait3A_110] : memref<16384x50x32xf32, #tpu.memory_space<hbm>> -> memref<1x50x32xf32, #tpu.memory_space<hbm>>
        %dma_wait3A_112 = tpu.memref_squeeze %dma_wait3A_111 : memref<1x50x32xf32, #tpu.memory_space<hbm>> -> memref<50x32xf32, #tpu.memory_space<hbm>>
        %dma_wait3A_113 = arith.constant 850 : i32
        %dma_wait3A_114 = arith.constant 0 : i32
        %dma_wait3A_115 = tpu.memref_slice %arg6[%dma_wait3A_113, %dma_wait3A_114] : memref<1600x32xf32, #tpu.memory_space<vmem>> -> memref<50x32xf32, #tpu.memory_space<vmem>>
        tpu.wait_dma2 semaphore(%run_scoped3A : memref<!tpu.dma_semaphore, #tpu.memory_space<semaphore_mem>>) src(%dma_wait3A_115 : memref<50x32xf32, #tpu.memory_space<vmem>>) dst(%dma_wait3A_112 : memref<50x32xf32, #tpu.memory_space<hbm>>)
        tpu.yield
      }) : () -> ()
      %add3A_60 = arith.constant 18 : i32
      %add3A_61 = arith.addi %add3A_17, %add3A_60 : i32
      "tpu.region"() ({
        %run_scoped3A = tpu.sem_alloc : memref<!tpu.dma_semaphore, #tpu.memory_space<semaphore_mem>>
        %dma_start3A_88 = arith.constant 900 : i32
        %dma_start3A_89 = arith.constant 0 : i32
        %dma_start3A_90 = tpu.memref_slice %arg6[%dma_start3A_88, %dma_start3A_89] : memref<1600x32xf32, #tpu.memory_space<vmem>> -> memref<50x32xf32, #tpu.memory_space<vmem>>
        %dma_start3A_91 = arith.constant 0 : i32
        %dma_start3A_92 = arith.constant 0 : i32
        %dma_start3A_93 = tpu.memref_slice %arg4[%add3A_61, %dma_start3A_91, %dma_start3A_92] : memref<16384x50x32xf32, #tpu.memory_space<hbm>> -> memref<1x50x32xf32, #tpu.memory_space<hbm>>
        %dma_start3A_94 = tpu.memref_squeeze %dma_start3A_93 : memref<1x50x32xf32, #tpu.memory_space<hbm>> -> memref<50x32xf32, #tpu.memory_space<hbm>>
        %dma_start3A_95 = arith.constant 0 : i32
        %dma_start3A_96 = arith.constant 0 : i32
        %dma_start3A_97 = tpu.memref_slice %arg4[%add3A_61, %dma_start3A_95, %dma_start3A_96] : memref<16384x50x32xf32, #tpu.memory_space<hbm>> -> memref<1x50x32xf32, #tpu.memory_space<hbm>>
        %dma_start3A_98 = tpu.memref_squeeze %dma_start3A_97 : memref<1x50x32xf32, #tpu.memory_space<hbm>> -> memref<50x32xf32, #tpu.memory_space<hbm>>
        %dma_start3A_99 = arith.constant 900 : i32
        %dma_start3A_100 = arith.constant 0 : i32
        %dma_start3A_101 = tpu.memref_slice %arg6[%dma_start3A_99, %dma_start3A_100] : memref<1600x32xf32, #tpu.memory_space<vmem>> -> memref<50x32xf32, #tpu.memory_space<vmem>>
        tpu.enqueue_dma source(%dma_start3A_101 : memref<50x32xf32, #tpu.memory_space<vmem>>) target(%dma_start3A_98 : memref<50x32xf32, #tpu.memory_space<hbm>>) target_semaphore(%run_scoped3A : memref<!tpu.dma_semaphore, #tpu.memory_space<semaphore_mem>>)
        %dma_wait3A_102 = arith.constant 900 : i32
        %dma_wait3A_103 = arith.constant 0 : i32
        %dma_wait3A_104 = tpu.memref_slice %arg6[%dma_wait3A_102, %dma_wait3A_103] : memref<1600x32xf32, #tpu.memory_space<vmem>> -> memref<50x32xf32, #tpu.memory_space<vmem>>
        %dma_wait3A_105 = arith.constant 0 : i32
        %dma_wait3A_106 = arith.constant 0 : i32
        %dma_wait3A_107 = tpu.memref_slice %arg4[%add3A_61, %dma_wait3A_105, %dma_wait3A_106] : memref<16384x50x32xf32, #tpu.memory_space<hbm>> -> memref<1x50x32xf32, #tpu.memory_space<hbm>>
        %dma_wait3A_108 = tpu.memref_squeeze %dma_wait3A_107 : memref<1x50x32xf32, #tpu.memory_space<hbm>> -> memref<50x32xf32, #tpu.memory_space<hbm>>
        %dma_wait3A_109 = arith.constant 0 : i32
        %dma_wait3A_110 = arith.constant 0 : i32
        %dma_wait3A_111 = tpu.memref_slice %arg4[%add3A_61, %dma_wait3A_109, %dma_wait3A_110] : memref<16384x50x32xf32, #tpu.memory_space<hbm>> -> memref<1x50x32xf32, #tpu.memory_space<hbm>>
        %dma_wait3A_112 = tpu.memref_squeeze %dma_wait3A_111 : memref<1x50x32xf32, #tpu.memory_space<hbm>> -> memref<50x32xf32, #tpu.memory_space<hbm>>
        %dma_wait3A_113 = arith.constant 900 : i32
        %dma_wait3A_114 = arith.constant 0 : i32
        %dma_wait3A_115 = tpu.memref_slice %arg6[%dma_wait3A_113, %dma_wait3A_114] : memref<1600x32xf32, #tpu.memory_space<vmem>> -> memref<50x32xf32, #tpu.memory_space<vmem>>
        tpu.wait_dma2 semaphore(%run_scoped3A : memref<!tpu.dma_semaphore, #tpu.memory_space<semaphore_mem>>) src(%dma_wait3A_115 : memref<50x32xf32, #tpu.memory_space<vmem>>) dst(%dma_wait3A_112 : memref<50x32xf32, #tpu.memory_space<hbm>>)
        tpu.yield
      }) : () -> ()
      %add3A_62 = arith.constant 19 : i32
      %add3A_63 = arith.addi %add3A_17, %add3A_62 : i32
      "tpu.region"() ({
        %run_scoped3A = tpu.sem_alloc : memref<!tpu.dma_semaphore, #tpu.memory_space<semaphore_mem>>
        %dma_start3A_88 = arith.constant 950 : i32
        %dma_start3A_89 = arith.constant 0 : i32
        %dma_start3A_90 = tpu.memref_slice %arg6[%dma_start3A_88, %dma_start3A_89] : memref<1600x32xf32, #tpu.memory_space<vmem>> -> memref<50x32xf32, #tpu.memory_space<vmem>>
        %dma_start3A_91 = arith.constant 0 : i32
        %dma_start3A_92 = arith.constant 0 : i32
        %dma_start3A_93 = tpu.memref_slice %arg4[%add3A_63, %dma_start3A_91, %dma_start3A_92] : memref<16384x50x32xf32, #tpu.memory_space<hbm>> -> memref<1x50x32xf32, #tpu.memory_space<hbm>>
        %dma_start3A_94 = tpu.memref_squeeze %dma_start3A_93 : memref<1x50x32xf32, #tpu.memory_space<hbm>> -> memref<50x32xf32, #tpu.memory_space<hbm>>
        %dma_start3A_95 = arith.constant 0 : i32
        %dma_start3A_96 = arith.constant 0 : i32
        %dma_start3A_97 = tpu.memref_slice %arg4[%add3A_63, %dma_start3A_95, %dma_start3A_96] : memref<16384x50x32xf32, #tpu.memory_space<hbm>> -> memref<1x50x32xf32, #tpu.memory_space<hbm>>
        %dma_start3A_98 = tpu.memref_squeeze %dma_start3A_97 : memref<1x50x32xf32, #tpu.memory_space<hbm>> -> memref<50x32xf32, #tpu.memory_space<hbm>>
        %dma_start3A_99 = arith.constant 950 : i32
        %dma_start3A_100 = arith.constant 0 : i32
        %dma_start3A_101 = tpu.memref_slice %arg6[%dma_start3A_99, %dma_start3A_100] : memref<1600x32xf32, #tpu.memory_space<vmem>> -> memref<50x32xf32, #tpu.memory_space<vmem>>
        tpu.enqueue_dma source(%dma_start3A_101 : memref<50x32xf32, #tpu.memory_space<vmem>>) target(%dma_start3A_98 : memref<50x32xf32, #tpu.memory_space<hbm>>) target_semaphore(%run_scoped3A : memref<!tpu.dma_semaphore, #tpu.memory_space<semaphore_mem>>)
        %dma_wait3A_102 = arith.constant 950 : i32
        %dma_wait3A_103 = arith.constant 0 : i32
        %dma_wait3A_104 = tpu.memref_slice %arg6[%dma_wait3A_102, %dma_wait3A_103] : memref<1600x32xf32, #tpu.memory_space<vmem>> -> memref<50x32xf32, #tpu.memory_space<vmem>>
        %dma_wait3A_105 = arith.constant 0 : i32
        %dma_wait3A_106 = arith.constant 0 : i32
        %dma_wait3A_107 = tpu.memref_slice %arg4[%add3A_63, %dma_wait3A_105, %dma_wait3A_106] : memref<16384x50x32xf32, #tpu.memory_space<hbm>> -> memref<1x50x32xf32, #tpu.memory_space<hbm>>
        %dma_wait3A_108 = tpu.memref_squeeze %dma_wait3A_107 : memref<1x50x32xf32, #tpu.memory_space<hbm>> -> memref<50x32xf32, #tpu.memory_space<hbm>>
        %dma_wait3A_109 = arith.constant 0 : i32
        %dma_wait3A_110 = arith.constant 0 : i32
        %dma_wait3A_111 = tpu.memref_slice %arg4[%add3A_63, %dma_wait3A_109, %dma_wait3A_110] : memref<16384x50x32xf32, #tpu.memory_space<hbm>> -> memref<1x50x32xf32, #tpu.memory_space<hbm>>
        %dma_wait3A_112 = tpu.memref_squeeze %dma_wait3A_111 : memref<1x50x32xf32, #tpu.memory_space<hbm>> -> memref<50x32xf32, #tpu.memory_space<hbm>>
        %dma_wait3A_113 = arith.constant 950 : i32
        %dma_wait3A_114 = arith.constant 0 : i32
        %dma_wait3A_115 = tpu.memref_slice %arg6[%dma_wait3A_113, %dma_wait3A_114] : memref<1600x32xf32, #tpu.memory_space<vmem>> -> memref<50x32xf32, #tpu.memory_space<vmem>>
        tpu.wait_dma2 semaphore(%run_scoped3A : memref<!tpu.dma_semaphore, #tpu.memory_space<semaphore_mem>>) src(%dma_wait3A_115 : memref<50x32xf32, #tpu.memory_space<vmem>>) dst(%dma_wait3A_112 : memref<50x32xf32, #tpu.memory_space<hbm>>)
        tpu.yield
      }) : () -> ()
      %add3A_64 = arith.constant 20 : i32
      %add3A_65 = arith.addi %add3A_17, %add3A_64 : i32
      "tpu.region"() ({
        %run_scoped3A = tpu.sem_alloc : memref<!tpu.dma_semaphore, #tpu.memory_space<semaphore_mem>>
        %dma_start3A_88 = arith.constant 1000 : i32
        %dma_start3A_89 = arith.constant 0 : i32
        %dma_start3A_90 = tpu.memref_slice %arg6[%dma_start3A_88, %dma_start3A_89] : memref<1600x32xf32, #tpu.memory_space<vmem>> -> memref<50x32xf32, #tpu.memory_space<vmem>>
        %dma_start3A_91 = arith.constant 0 : i32
        %dma_start3A_92 = arith.constant 0 : i32
        %dma_start3A_93 = tpu.memref_slice %arg4[%add3A_65, %dma_start3A_91, %dma_start3A_92] : memref<16384x50x32xf32, #tpu.memory_space<hbm>> -> memref<1x50x32xf32, #tpu.memory_space<hbm>>
        %dma_start3A_94 = tpu.memref_squeeze %dma_start3A_93 : memref<1x50x32xf32, #tpu.memory_space<hbm>> -> memref<50x32xf32, #tpu.memory_space<hbm>>
        %dma_start3A_95 = arith.constant 0 : i32
        %dma_start3A_96 = arith.constant 0 : i32
        %dma_start3A_97 = tpu.memref_slice %arg4[%add3A_65, %dma_start3A_95, %dma_start3A_96] : memref<16384x50x32xf32, #tpu.memory_space<hbm>> -> memref<1x50x32xf32, #tpu.memory_space<hbm>>
        %dma_start3A_98 = tpu.memref_squeeze %dma_start3A_97 : memref<1x50x32xf32, #tpu.memory_space<hbm>> -> memref<50x32xf32, #tpu.memory_space<hbm>>
        %dma_start3A_99 = arith.constant 1000 : i32
        %dma_start3A_100 = arith.constant 0 : i32
        %dma_start3A_101 = tpu.memref_slice %arg6[%dma_start3A_99, %dma_start3A_100] : memref<1600x32xf32, #tpu.memory_space<vmem>> -> memref<50x32xf32, #tpu.memory_space<vmem>>
        tpu.enqueue_dma source(%dma_start3A_101 : memref<50x32xf32, #tpu.memory_space<vmem>>) target(%dma_start3A_98 : memref<50x32xf32, #tpu.memory_space<hbm>>) target_semaphore(%run_scoped3A : memref<!tpu.dma_semaphore, #tpu.memory_space<semaphore_mem>>)
        %dma_wait3A_102 = arith.constant 1000 : i32
        %dma_wait3A_103 = arith.constant 0 : i32
        %dma_wait3A_104 = tpu.memref_slice %arg6[%dma_wait3A_102, %dma_wait3A_103] : memref<1600x32xf32, #tpu.memory_space<vmem>> -> memref<50x32xf32, #tpu.memory_space<vmem>>
        %dma_wait3A_105 = arith.constant 0 : i32
        %dma_wait3A_106 = arith.constant 0 : i32
        %dma_wait3A_107 = tpu.memref_slice %arg4[%add3A_65, %dma_wait3A_105, %dma_wait3A_106] : memref<16384x50x32xf32, #tpu.memory_space<hbm>> -> memref<1x50x32xf32, #tpu.memory_space<hbm>>
        %dma_wait3A_108 = tpu.memref_squeeze %dma_wait3A_107 : memref<1x50x32xf32, #tpu.memory_space<hbm>> -> memref<50x32xf32, #tpu.memory_space<hbm>>
        %dma_wait3A_109 = arith.constant 0 : i32
        %dma_wait3A_110 = arith.constant 0 : i32
        %dma_wait3A_111 = tpu.memref_slice %arg4[%add3A_65, %dma_wait3A_109, %dma_wait3A_110] : memref<16384x50x32xf32, #tpu.memory_space<hbm>> -> memref<1x50x32xf32, #tpu.memory_space<hbm>>
        %dma_wait3A_112 = tpu.memref_squeeze %dma_wait3A_111 : memref<1x50x32xf32, #tpu.memory_space<hbm>> -> memref<50x32xf32, #tpu.memory_space<hbm>>
        %dma_wait3A_113 = arith.constant 1000 : i32
        %dma_wait3A_114 = arith.constant 0 : i32
        %dma_wait3A_115 = tpu.memref_slice %arg6[%dma_wait3A_113, %dma_wait3A_114] : memref<1600x32xf32, #tpu.memory_space<vmem>> -> memref<50x32xf32, #tpu.memory_space<vmem>>
        tpu.wait_dma2 semaphore(%run_scoped3A : memref<!tpu.dma_semaphore, #tpu.memory_space<semaphore_mem>>) src(%dma_wait3A_115 : memref<50x32xf32, #tpu.memory_space<vmem>>) dst(%dma_wait3A_112 : memref<50x32xf32, #tpu.memory_space<hbm>>)
        tpu.yield
      }) : () -> ()
      %add3A_66 = arith.constant 21 : i32
      %add3A_67 = arith.addi %add3A_17, %add3A_66 : i32
      "tpu.region"() ({
        %run_scoped3A = tpu.sem_alloc : memref<!tpu.dma_semaphore, #tpu.memory_space<semaphore_mem>>
        %dma_start3A_88 = arith.constant 1050 : i32
        %dma_start3A_89 = arith.constant 0 : i32
        %dma_start3A_90 = tpu.memref_slice %arg6[%dma_start3A_88, %dma_start3A_89] : memref<1600x32xf32, #tpu.memory_space<vmem>> -> memref<50x32xf32, #tpu.memory_space<vmem>>
        %dma_start3A_91 = arith.constant 0 : i32
        %dma_start3A_92 = arith.constant 0 : i32
        %dma_start3A_93 = tpu.memref_slice %arg4[%add3A_67, %dma_start3A_91, %dma_start3A_92] : memref<16384x50x32xf32, #tpu.memory_space<hbm>> -> memref<1x50x32xf32, #tpu.memory_space<hbm>>
        %dma_start3A_94 = tpu.memref_squeeze %dma_start3A_93 : memref<1x50x32xf32, #tpu.memory_space<hbm>> -> memref<50x32xf32, #tpu.memory_space<hbm>>
        %dma_start3A_95 = arith.constant 0 : i32
        %dma_start3A_96 = arith.constant 0 : i32
        %dma_start3A_97 = tpu.memref_slice %arg4[%add3A_67, %dma_start3A_95, %dma_start3A_96] : memref<16384x50x32xf32, #tpu.memory_space<hbm>> -> memref<1x50x32xf32, #tpu.memory_space<hbm>>
        %dma_start3A_98 = tpu.memref_squeeze %dma_start3A_97 : memref<1x50x32xf32, #tpu.memory_space<hbm>> -> memref<50x32xf32, #tpu.memory_space<hbm>>
        %dma_start3A_99 = arith.constant 1050 : i32
        %dma_start3A_100 = arith.constant 0 : i32
        %dma_start3A_101 = tpu.memref_slice %arg6[%dma_start3A_99, %dma_start3A_100] : memref<1600x32xf32, #tpu.memory_space<vmem>> -> memref<50x32xf32, #tpu.memory_space<vmem>>
        tpu.enqueue_dma source(%dma_start3A_101 : memref<50x32xf32, #tpu.memory_space<vmem>>) target(%dma_start3A_98 : memref<50x32xf32, #tpu.memory_space<hbm>>) target_semaphore(%run_scoped3A : memref<!tpu.dma_semaphore, #tpu.memory_space<semaphore_mem>>)
        %dma_wait3A_102 = arith.constant 1050 : i32
        %dma_wait3A_103 = arith.constant 0 : i32
        %dma_wait3A_104 = tpu.memref_slice %arg6[%dma_wait3A_102, %dma_wait3A_103] : memref<1600x32xf32, #tpu.memory_space<vmem>> -> memref<50x32xf32, #tpu.memory_space<vmem>>
        %dma_wait3A_105 = arith.constant 0 : i32
        %dma_wait3A_106 = arith.constant 0 : i32
        %dma_wait3A_107 = tpu.memref_slice %arg4[%add3A_67, %dma_wait3A_105, %dma_wait3A_106] : memref<16384x50x32xf32, #tpu.memory_space<hbm>> -> memref<1x50x32xf32, #tpu.memory_space<hbm>>
        %dma_wait3A_108 = tpu.memref_squeeze %dma_wait3A_107 : memref<1x50x32xf32, #tpu.memory_space<hbm>> -> memref<50x32xf32, #tpu.memory_space<hbm>>
        %dma_wait3A_109 = arith.constant 0 : i32
        %dma_wait3A_110 = arith.constant 0 : i32
        %dma_wait3A_111 = tpu.memref_slice %arg4[%add3A_67, %dma_wait3A_109, %dma_wait3A_110] : memref<16384x50x32xf32, #tpu.memory_space<hbm>> -> memref<1x50x32xf32, #tpu.memory_space<hbm>>
        %dma_wait3A_112 = tpu.memref_squeeze %dma_wait3A_111 : memref<1x50x32xf32, #tpu.memory_space<hbm>> -> memref<50x32xf32, #tpu.memory_space<hbm>>
        %dma_wait3A_113 = arith.constant 1050 : i32
        %dma_wait3A_114 = arith.constant 0 : i32
        %dma_wait3A_115 = tpu.memref_slice %arg6[%dma_wait3A_113, %dma_wait3A_114] : memref<1600x32xf32, #tpu.memory_space<vmem>> -> memref<50x32xf32, #tpu.memory_space<vmem>>
        tpu.wait_dma2 semaphore(%run_scoped3A : memref<!tpu.dma_semaphore, #tpu.memory_space<semaphore_mem>>) src(%dma_wait3A_115 : memref<50x32xf32, #tpu.memory_space<vmem>>) dst(%dma_wait3A_112 : memref<50x32xf32, #tpu.memory_space<hbm>>)
        tpu.yield
      }) : () -> ()
      %add3A_68 = arith.constant 22 : i32
      %add3A_69 = arith.addi %add3A_17, %add3A_68 : i32
      "tpu.region"() ({
        %run_scoped3A = tpu.sem_alloc : memref<!tpu.dma_semaphore, #tpu.memory_space<semaphore_mem>>
        %dma_start3A_88 = arith.constant 1100 : i32
        %dma_start3A_89 = arith.constant 0 : i32
        %dma_start3A_90 = tpu.memref_slice %arg6[%dma_start3A_88, %dma_start3A_89] : memref<1600x32xf32, #tpu.memory_space<vmem>> -> memref<50x32xf32, #tpu.memory_space<vmem>>
        %dma_start3A_91 = arith.constant 0 : i32
        %dma_start3A_92 = arith.constant 0 : i32
        %dma_start3A_93 = tpu.memref_slice %arg4[%add3A_69, %dma_start3A_91, %dma_start3A_92] : memref<16384x50x32xf32, #tpu.memory_space<hbm>> -> memref<1x50x32xf32, #tpu.memory_space<hbm>>
        %dma_start3A_94 = tpu.memref_squeeze %dma_start3A_93 : memref<1x50x32xf32, #tpu.memory_space<hbm>> -> memref<50x32xf32, #tpu.memory_space<hbm>>
        %dma_start3A_95 = arith.constant 0 : i32
        %dma_start3A_96 = arith.constant 0 : i32
        %dma_start3A_97 = tpu.memref_slice %arg4[%add3A_69, %dma_start3A_95, %dma_start3A_96] : memref<16384x50x32xf32, #tpu.memory_space<hbm>> -> memref<1x50x32xf32, #tpu.memory_space<hbm>>
        %dma_start3A_98 = tpu.memref_squeeze %dma_start3A_97 : memref<1x50x32xf32, #tpu.memory_space<hbm>> -> memref<50x32xf32, #tpu.memory_space<hbm>>
        %dma_start3A_99 = arith.constant 1100 : i32
        %dma_start3A_100 = arith.constant 0 : i32
        %dma_start3A_101 = tpu.memref_slice %arg6[%dma_start3A_99, %dma_start3A_100] : memref<1600x32xf32, #tpu.memory_space<vmem>> -> memref<50x32xf32, #tpu.memory_space<vmem>>
        tpu.enqueue_dma source(%dma_start3A_101 : memref<50x32xf32, #tpu.memory_space<vmem>>) target(%dma_start3A_98 : memref<50x32xf32, #tpu.memory_space<hbm>>) target_semaphore(%run_scoped3A : memref<!tpu.dma_semaphore, #tpu.memory_space<semaphore_mem>>)
        %dma_wait3A_102 = arith.constant 1100 : i32
        %dma_wait3A_103 = arith.constant 0 : i32
        %dma_wait3A_104 = tpu.memref_slice %arg6[%dma_wait3A_102, %dma_wait3A_103] : memref<1600x32xf32, #tpu.memory_space<vmem>> -> memref<50x32xf32, #tpu.memory_space<vmem>>
        %dma_wait3A_105 = arith.constant 0 : i32
        %dma_wait3A_106 = arith.constant 0 : i32
        %dma_wait3A_107 = tpu.memref_slice %arg4[%add3A_69, %dma_wait3A_105, %dma_wait3A_106] : memref<16384x50x32xf32, #tpu.memory_space<hbm>> -> memref<1x50x32xf32, #tpu.memory_space<hbm>>
        %dma_wait3A_108 = tpu.memref_squeeze %dma_wait3A_107 : memref<1x50x32xf32, #tpu.memory_space<hbm>> -> memref<50x32xf32, #tpu.memory_space<hbm>>
        %dma_wait3A_109 = arith.constant 0 : i32
        %dma_wait3A_110 = arith.constant 0 : i32
        %dma_wait3A_111 = tpu.memref_slice %arg4[%add3A_69, %dma_wait3A_109, %dma_wait3A_110] : memref<16384x50x32xf32, #tpu.memory_space<hbm>> -> memref<1x50x32xf32, #tpu.memory_space<hbm>>
        %dma_wait3A_112 = tpu.memref_squeeze %dma_wait3A_111 : memref<1x50x32xf32, #tpu.memory_space<hbm>> -> memref<50x32xf32, #tpu.memory_space<hbm>>
        %dma_wait3A_113 = arith.constant 1100 : i32
        %dma_wait3A_114 = arith.constant 0 : i32
        %dma_wait3A_115 = tpu.memref_slice %arg6[%dma_wait3A_113, %dma_wait3A_114] : memref<1600x32xf32, #tpu.memory_space<vmem>> -> memref<50x32xf32, #tpu.memory_space<vmem>>
        tpu.wait_dma2 semaphore(%run_scoped3A : memref<!tpu.dma_semaphore, #tpu.memory_space<semaphore_mem>>) src(%dma_wait3A_115 : memref<50x32xf32, #tpu.memory_space<vmem>>) dst(%dma_wait3A_112 : memref<50x32xf32, #tpu.memory_space<hbm>>)
        tpu.yield
      }) : () -> ()
      %add3A_70 = arith.constant 23 : i32
      %add3A_71 = arith.addi %add3A_17, %add3A_70 : i32
      "tpu.region"() ({
        %run_scoped3A = tpu.sem_alloc : memref<!tpu.dma_semaphore, #tpu.memory_space<semaphore_mem>>
        %dma_start3A_88 = arith.constant 1150 : i32
        %dma_start3A_89 = arith.constant 0 : i32
        %dma_start3A_90 = tpu.memref_slice %arg6[%dma_start3A_88, %dma_start3A_89] : memref<1600x32xf32, #tpu.memory_space<vmem>> -> memref<50x32xf32, #tpu.memory_space<vmem>>
        %dma_start3A_91 = arith.constant 0 : i32
        %dma_start3A_92 = arith.constant 0 : i32
        %dma_start3A_93 = tpu.memref_slice %arg4[%add3A_71, %dma_start3A_91, %dma_start3A_92] : memref<16384x50x32xf32, #tpu.memory_space<hbm>> -> memref<1x50x32xf32, #tpu.memory_space<hbm>>
        %dma_start3A_94 = tpu.memref_squeeze %dma_start3A_93 : memref<1x50x32xf32, #tpu.memory_space<hbm>> -> memref<50x32xf32, #tpu.memory_space<hbm>>
        %dma_start3A_95 = arith.constant 0 : i32
        %dma_start3A_96 = arith.constant 0 : i32
        %dma_start3A_97 = tpu.memref_slice %arg4[%add3A_71, %dma_start3A_95, %dma_start3A_96] : memref<16384x50x32xf32, #tpu.memory_space<hbm>> -> memref<1x50x32xf32, #tpu.memory_space<hbm>>
        %dma_start3A_98 = tpu.memref_squeeze %dma_start3A_97 : memref<1x50x32xf32, #tpu.memory_space<hbm>> -> memref<50x32xf32, #tpu.memory_space<hbm>>
        %dma_start3A_99 = arith.constant 1150 : i32
        %dma_start3A_100 = arith.constant 0 : i32
        %dma_start3A_101 = tpu.memref_slice %arg6[%dma_start3A_99, %dma_start3A_100] : memref<1600x32xf32, #tpu.memory_space<vmem>> -> memref<50x32xf32, #tpu.memory_space<vmem>>
        tpu.enqueue_dma source(%dma_start3A_101 : memref<50x32xf32, #tpu.memory_space<vmem>>) target(%dma_start3A_98 : memref<50x32xf32, #tpu.memory_space<hbm>>) target_semaphore(%run_scoped3A : memref<!tpu.dma_semaphore, #tpu.memory_space<semaphore_mem>>)
        %dma_wait3A_102 = arith.constant 1150 : i32
        %dma_wait3A_103 = arith.constant 0 : i32
        %dma_wait3A_104 = tpu.memref_slice %arg6[%dma_wait3A_102, %dma_wait3A_103] : memref<1600x32xf32, #tpu.memory_space<vmem>> -> memref<50x32xf32, #tpu.memory_space<vmem>>
        %dma_wait3A_105 = arith.constant 0 : i32
        %dma_wait3A_106 = arith.constant 0 : i32
        %dma_wait3A_107 = tpu.memref_slice %arg4[%add3A_71, %dma_wait3A_105, %dma_wait3A_106] : memref<16384x50x32xf32, #tpu.memory_space<hbm>> -> memref<1x50x32xf32, #tpu.memory_space<hbm>>
        %dma_wait3A_108 = tpu.memref_squeeze %dma_wait3A_107 : memref<1x50x32xf32, #tpu.memory_space<hbm>> -> memref<50x32xf32, #tpu.memory_space<hbm>>
        %dma_wait3A_109 = arith.constant 0 : i32
        %dma_wait3A_110 = arith.constant 0 : i32
        %dma_wait3A_111 = tpu.memref_slice %arg4[%add3A_71, %dma_wait3A_109, %dma_wait3A_110] : memref<16384x50x32xf32, #tpu.memory_space<hbm>> -> memref<1x50x32xf32, #tpu.memory_space<hbm>>
        %dma_wait3A_112 = tpu.memref_squeeze %dma_wait3A_111 : memref<1x50x32xf32, #tpu.memory_space<hbm>> -> memref<50x32xf32, #tpu.memory_space<hbm>>
        %dma_wait3A_113 = arith.constant 1150 : i32
        %dma_wait3A_114 = arith.constant 0 : i32
        %dma_wait3A_115 = tpu.memref_slice %arg6[%dma_wait3A_113, %dma_wait3A_114] : memref<1600x32xf32, #tpu.memory_space<vmem>> -> memref<50x32xf32, #tpu.memory_space<vmem>>
        tpu.wait_dma2 semaphore(%run_scoped3A : memref<!tpu.dma_semaphore, #tpu.memory_space<semaphore_mem>>) src(%dma_wait3A_115 : memref<50x32xf32, #tpu.memory_space<vmem>>) dst(%dma_wait3A_112 : memref<50x32xf32, #tpu.memory_space<hbm>>)
        tpu.yield
      }) : () -> ()
      %add3A_72 = arith.constant 24 : i32
      %add3A_73 = arith.addi %add3A_17, %add3A_72 : i32
      "tpu.region"() ({
        %run_scoped3A = tpu.sem_alloc : memref<!tpu.dma_semaphore, #tpu.memory_space<semaphore_mem>>
        %dma_start3A_88 = arith.constant 1200 : i32
        %dma_start3A_89 = arith.constant 0 : i32
        %dma_start3A_90 = tpu.memref_slice %arg6[%dma_start3A_88, %dma_start3A_89] : memref<1600x32xf32, #tpu.memory_space<vmem>> -> memref<50x32xf32, #tpu.memory_space<vmem>>
        %dma_start3A_91 = arith.constant 0 : i32
        %dma_start3A_92 = arith.constant 0 : i32
        %dma_start3A_93 = tpu.memref_slice %arg4[%add3A_73, %dma_start3A_91, %dma_start3A_92] : memref<16384x50x32xf32, #tpu.memory_space<hbm>> -> memref<1x50x32xf32, #tpu.memory_space<hbm>>
        %dma_start3A_94 = tpu.memref_squeeze %dma_start3A_93 : memref<1x50x32xf32, #tpu.memory_space<hbm>> -> memref<50x32xf32, #tpu.memory_space<hbm>>
        %dma_start3A_95 = arith.constant 0 : i32
        %dma_start3A_96 = arith.constant 0 : i32
        %dma_start3A_97 = tpu.memref_slice %arg4[%add3A_73, %dma_start3A_95, %dma_start3A_96] : memref<16384x50x32xf32, #tpu.memory_space<hbm>> -> memref<1x50x32xf32, #tpu.memory_space<hbm>>
        %dma_start3A_98 = tpu.memref_squeeze %dma_start3A_97 : memref<1x50x32xf32, #tpu.memory_space<hbm>> -> memref<50x32xf32, #tpu.memory_space<hbm>>
        %dma_start3A_99 = arith.constant 1200 : i32
        %dma_start3A_100 = arith.constant 0 : i32
        %dma_start3A_101 = tpu.memref_slice %arg6[%dma_start3A_99, %dma_start3A_100] : memref<1600x32xf32, #tpu.memory_space<vmem>> -> memref<50x32xf32, #tpu.memory_space<vmem>>
        tpu.enqueue_dma source(%dma_start3A_101 : memref<50x32xf32, #tpu.memory_space<vmem>>) target(%dma_start3A_98 : memref<50x32xf32, #tpu.memory_space<hbm>>) target_semaphore(%run_scoped3A : memref<!tpu.dma_semaphore, #tpu.memory_space<semaphore_mem>>)
        %dma_wait3A_102 = arith.constant 1200 : i32
        %dma_wait3A_103 = arith.constant 0 : i32
        %dma_wait3A_104 = tpu.memref_slice %arg6[%dma_wait3A_102, %dma_wait3A_103] : memref<1600x32xf32, #tpu.memory_space<vmem>> -> memref<50x32xf32, #tpu.memory_space<vmem>>
        %dma_wait3A_105 = arith.constant 0 : i32
        %dma_wait3A_106 = arith.constant 0 : i32
        %dma_wait3A_107 = tpu.memref_slice %arg4[%add3A_73, %dma_wait3A_105, %dma_wait3A_106] : memref<16384x50x32xf32, #tpu.memory_space<hbm>> -> memref<1x50x32xf32, #tpu.memory_space<hbm>>
        %dma_wait3A_108 = tpu.memref_squeeze %dma_wait3A_107 : memref<1x50x32xf32, #tpu.memory_space<hbm>> -> memref<50x32xf32, #tpu.memory_space<hbm>>
        %dma_wait3A_109 = arith.constant 0 : i32
        %dma_wait3A_110 = arith.constant 0 : i32
        %dma_wait3A_111 = tpu.memref_slice %arg4[%add3A_73, %dma_wait3A_109, %dma_wait3A_110] : memref<16384x50x32xf32, #tpu.memory_space<hbm>> -> memref<1x50x32xf32, #tpu.memory_space<hbm>>
        %dma_wait3A_112 = tpu.memref_squeeze %dma_wait3A_111 : memref<1x50x32xf32, #tpu.memory_space<hbm>> -> memref<50x32xf32, #tpu.memory_space<hbm>>
        %dma_wait3A_113 = arith.constant 1200 : i32
        %dma_wait3A_114 = arith.constant 0 : i32
        %dma_wait3A_115 = tpu.memref_slice %arg6[%dma_wait3A_113, %dma_wait3A_114] : memref<1600x32xf32, #tpu.memory_space<vmem>> -> memref<50x32xf32, #tpu.memory_space<vmem>>
        tpu.wait_dma2 semaphore(%run_scoped3A : memref<!tpu.dma_semaphore, #tpu.memory_space<semaphore_mem>>) src(%dma_wait3A_115 : memref<50x32xf32, #tpu.memory_space<vmem>>) dst(%dma_wait3A_112 : memref<50x32xf32, #tpu.memory_space<hbm>>)
        tpu.yield
      }) : () -> ()
      %add3A_74 = arith.constant 25 : i32
      %add3A_75 = arith.addi %add3A_17, %add3A_74 : i32
      "tpu.region"() ({
        %run_scoped3A = tpu.sem_alloc : memref<!tpu.dma_semaphore, #tpu.memory_space<semaphore_mem>>
        %dma_start3A_88 = arith.constant 1250 : i32
        %dma_start3A_89 = arith.constant 0 : i32
        %dma_start3A_90 = tpu.memref_slice %arg6[%dma_start3A_88, %dma_start3A_89] : memref<1600x32xf32, #tpu.memory_space<vmem>> -> memref<50x32xf32, #tpu.memory_space<vmem>>
        %dma_start3A_91 = arith.constant 0 : i32
        %dma_start3A_92 = arith.constant 0 : i32
        %dma_start3A_93 = tpu.memref_slice %arg4[%add3A_75, %dma_start3A_91, %dma_start3A_92] : memref<16384x50x32xf32, #tpu.memory_space<hbm>> -> memref<1x50x32xf32, #tpu.memory_space<hbm>>
        %dma_start3A_94 = tpu.memref_squeeze %dma_start3A_93 : memref<1x50x32xf32, #tpu.memory_space<hbm>> -> memref<50x32xf32, #tpu.memory_space<hbm>>
        %dma_start3A_95 = arith.constant 0 : i32
        %dma_start3A_96 = arith.constant 0 : i32
        %dma_start3A_97 = tpu.memref_slice %arg4[%add3A_75, %dma_start3A_95, %dma_start3A_96] : memref<16384x50x32xf32, #tpu.memory_space<hbm>> -> memref<1x50x32xf32, #tpu.memory_space<hbm>>
        %dma_start3A_98 = tpu.memref_squeeze %dma_start3A_97 : memref<1x50x32xf32, #tpu.memory_space<hbm>> -> memref<50x32xf32, #tpu.memory_space<hbm>>
        %dma_start3A_99 = arith.constant 1250 : i32
        %dma_start3A_100 = arith.constant 0 : i32
        %dma_start3A_101 = tpu.memref_slice %arg6[%dma_start3A_99, %dma_start3A_100] : memref<1600x32xf32, #tpu.memory_space<vmem>> -> memref<50x32xf32, #tpu.memory_space<vmem>>
        tpu.enqueue_dma source(%dma_start3A_101 : memref<50x32xf32, #tpu.memory_space<vmem>>) target(%dma_start3A_98 : memref<50x32xf32, #tpu.memory_space<hbm>>) target_semaphore(%run_scoped3A : memref<!tpu.dma_semaphore, #tpu.memory_space<semaphore_mem>>)
        %dma_wait3A_102 = arith.constant 1250 : i32
        %dma_wait3A_103 = arith.constant 0 : i32
        %dma_wait3A_104 = tpu.memref_slice %arg6[%dma_wait3A_102, %dma_wait3A_103] : memref<1600x32xf32, #tpu.memory_space<vmem>> -> memref<50x32xf32, #tpu.memory_space<vmem>>
        %dma_wait3A_105 = arith.constant 0 : i32
        %dma_wait3A_106 = arith.constant 0 : i32
        %dma_wait3A_107 = tpu.memref_slice %arg4[%add3A_75, %dma_wait3A_105, %dma_wait3A_106] : memref<16384x50x32xf32, #tpu.memory_space<hbm>> -> memref<1x50x32xf32, #tpu.memory_space<hbm>>
        %dma_wait3A_108 = tpu.memref_squeeze %dma_wait3A_107 : memref<1x50x32xf32, #tpu.memory_space<hbm>> -> memref<50x32xf32, #tpu.memory_space<hbm>>
        %dma_wait3A_109 = arith.constant 0 : i32
        %dma_wait3A_110 = arith.constant 0 : i32
        %dma_wait3A_111 = tpu.memref_slice %arg4[%add3A_75, %dma_wait3A_109, %dma_wait3A_110] : memref<16384x50x32xf32, #tpu.memory_space<hbm>> -> memref<1x50x32xf32, #tpu.memory_space<hbm>>
        %dma_wait3A_112 = tpu.memref_squeeze %dma_wait3A_111 : memref<1x50x32xf32, #tpu.memory_space<hbm>> -> memref<50x32xf32, #tpu.memory_space<hbm>>
        %dma_wait3A_113 = arith.constant 1250 : i32
        %dma_wait3A_114 = arith.constant 0 : i32
        %dma_wait3A_115 = tpu.memref_slice %arg6[%dma_wait3A_113, %dma_wait3A_114] : memref<1600x32xf32, #tpu.memory_space<vmem>> -> memref<50x32xf32, #tpu.memory_space<vmem>>
        tpu.wait_dma2 semaphore(%run_scoped3A : memref<!tpu.dma_semaphore, #tpu.memory_space<semaphore_mem>>) src(%dma_wait3A_115 : memref<50x32xf32, #tpu.memory_space<vmem>>) dst(%dma_wait3A_112 : memref<50x32xf32, #tpu.memory_space<hbm>>)
        tpu.yield
      }) : () -> ()
      %add3A_76 = arith.constant 26 : i32
      %add3A_77 = arith.addi %add3A_17, %add3A_76 : i32
      "tpu.region"() ({
        %run_scoped3A = tpu.sem_alloc : memref<!tpu.dma_semaphore, #tpu.memory_space<semaphore_mem>>
        %dma_start3A_88 = arith.constant 1300 : i32
        %dma_start3A_89 = arith.constant 0 : i32
        %dma_start3A_90 = tpu.memref_slice %arg6[%dma_start3A_88, %dma_start3A_89] : memref<1600x32xf32, #tpu.memory_space<vmem>> -> memref<50x32xf32, #tpu.memory_space<vmem>>
        %dma_start3A_91 = arith.constant 0 : i32
        %dma_start3A_92 = arith.constant 0 : i32
        %dma_start3A_93 = tpu.memref_slice %arg4[%add3A_77, %dma_start3A_91, %dma_start3A_92] : memref<16384x50x32xf32, #tpu.memory_space<hbm>> -> memref<1x50x32xf32, #tpu.memory_space<hbm>>
        %dma_start3A_94 = tpu.memref_squeeze %dma_start3A_93 : memref<1x50x32xf32, #tpu.memory_space<hbm>> -> memref<50x32xf32, #tpu.memory_space<hbm>>
        %dma_start3A_95 = arith.constant 0 : i32
        %dma_start3A_96 = arith.constant 0 : i32
        %dma_start3A_97 = tpu.memref_slice %arg4[%add3A_77, %dma_start3A_95, %dma_start3A_96] : memref<16384x50x32xf32, #tpu.memory_space<hbm>> -> memref<1x50x32xf32, #tpu.memory_space<hbm>>
        %dma_start3A_98 = tpu.memref_squeeze %dma_start3A_97 : memref<1x50x32xf32, #tpu.memory_space<hbm>> -> memref<50x32xf32, #tpu.memory_space<hbm>>
        %dma_start3A_99 = arith.constant 1300 : i32
        %dma_start3A_100 = arith.constant 0 : i32
        %dma_start3A_101 = tpu.memref_slice %arg6[%dma_start3A_99, %dma_start3A_100] : memref<1600x32xf32, #tpu.memory_space<vmem>> -> memref<50x32xf32, #tpu.memory_space<vmem>>
        tpu.enqueue_dma source(%dma_start3A_101 : memref<50x32xf32, #tpu.memory_space<vmem>>) target(%dma_start3A_98 : memref<50x32xf32, #tpu.memory_space<hbm>>) target_semaphore(%run_scoped3A : memref<!tpu.dma_semaphore, #tpu.memory_space<semaphore_mem>>)
        %dma_wait3A_102 = arith.constant 1300 : i32
        %dma_wait3A_103 = arith.constant 0 : i32
        %dma_wait3A_104 = tpu.memref_slice %arg6[%dma_wait3A_102, %dma_wait3A_103] : memref<1600x32xf32, #tpu.memory_space<vmem>> -> memref<50x32xf32, #tpu.memory_space<vmem>>
        %dma_wait3A_105 = arith.constant 0 : i32
        %dma_wait3A_106 = arith.constant 0 : i32
        %dma_wait3A_107 = tpu.memref_slice %arg4[%add3A_77, %dma_wait3A_105, %dma_wait3A_106] : memref<16384x50x32xf32, #tpu.memory_space<hbm>> -> memref<1x50x32xf32, #tpu.memory_space<hbm>>
        %dma_wait3A_108 = tpu.memref_squeeze %dma_wait3A_107 : memref<1x50x32xf32, #tpu.memory_space<hbm>> -> memref<50x32xf32, #tpu.memory_space<hbm>>
        %dma_wait3A_109 = arith.constant 0 : i32
        %dma_wait3A_110 = arith.constant 0 : i32
        %dma_wait3A_111 = tpu.memref_slice %arg4[%add3A_77, %dma_wait3A_109, %dma_wait3A_110] : memref<16384x50x32xf32, #tpu.memory_space<hbm>> -> memref<1x50x32xf32, #tpu.memory_space<hbm>>
        %dma_wait3A_112 = tpu.memref_squeeze %dma_wait3A_111 : memref<1x50x32xf32, #tpu.memory_space<hbm>> -> memref<50x32xf32, #tpu.memory_space<hbm>>
        %dma_wait3A_113 = arith.constant 1300 : i32
        %dma_wait3A_114 = arith.constant 0 : i32
        %dma_wait3A_115 = tpu.memref_slice %arg6[%dma_wait3A_113, %dma_wait3A_114] : memref<1600x32xf32, #tpu.memory_space<vmem>> -> memref<50x32xf32, #tpu.memory_space<vmem>>
        tpu.wait_dma2 semaphore(%run_scoped3A : memref<!tpu.dma_semaphore, #tpu.memory_space<semaphore_mem>>) src(%dma_wait3A_115 : memref<50x32xf32, #tpu.memory_space<vmem>>) dst(%dma_wait3A_112 : memref<50x32xf32, #tpu.memory_space<hbm>>)
        tpu.yield
      }) : () -> ()
      %add3A_78 = arith.constant 27 : i32
      %add3A_79 = arith.addi %add3A_17, %add3A_78 : i32
      "tpu.region"() ({
        %run_scoped3A = tpu.sem_alloc : memref<!tpu.dma_semaphore, #tpu.memory_space<semaphore_mem>>
        %dma_start3A_88 = arith.constant 1350 : i32
        %dma_start3A_89 = arith.constant 0 : i32
        %dma_start3A_90 = tpu.memref_slice %arg6[%dma_start3A_88, %dma_start3A_89] : memref<1600x32xf32, #tpu.memory_space<vmem>> -> memref<50x32xf32, #tpu.memory_space<vmem>>
        %dma_start3A_91 = arith.constant 0 : i32
        %dma_start3A_92 = arith.constant 0 : i32
        %dma_start3A_93 = tpu.memref_slice %arg4[%add3A_79, %dma_start3A_91, %dma_start3A_92] : memref<16384x50x32xf32, #tpu.memory_space<hbm>> -> memref<1x50x32xf32, #tpu.memory_space<hbm>>
        %dma_start3A_94 = tpu.memref_squeeze %dma_start3A_93 : memref<1x50x32xf32, #tpu.memory_space<hbm>> -> memref<50x32xf32, #tpu.memory_space<hbm>>
        %dma_start3A_95 = arith.constant 0 : i32
        %dma_start3A_96 = arith.constant 0 : i32
        %dma_start3A_97 = tpu.memref_slice %arg4[%add3A_79, %dma_start3A_95, %dma_start3A_96] : memref<16384x50x32xf32, #tpu.memory_space<hbm>> -> memref<1x50x32xf32, #tpu.memory_space<hbm>>
        %dma_start3A_98 = tpu.memref_squeeze %dma_start3A_97 : memref<1x50x32xf32, #tpu.memory_space<hbm>> -> memref<50x32xf32, #tpu.memory_space<hbm>>
        %dma_start3A_99 = arith.constant 1350 : i32
        %dma_start3A_100 = arith.constant 0 : i32
        %dma_start3A_101 = tpu.memref_slice %arg6[%dma_start3A_99, %dma_start3A_100] : memref<1600x32xf32, #tpu.memory_space<vmem>> -> memref<50x32xf32, #tpu.memory_space<vmem>>
        tpu.enqueue_dma source(%dma_start3A_101 : memref<50x32xf32, #tpu.memory_space<vmem>>) target(%dma_start3A_98 : memref<50x32xf32, #tpu.memory_space<hbm>>) target_semaphore(%run_scoped3A : memref<!tpu.dma_semaphore, #tpu.memory_space<semaphore_mem>>)
        %dma_wait3A_102 = arith.constant 1350 : i32
        %dma_wait3A_103 = arith.constant 0 : i32
        %dma_wait3A_104 = tpu.memref_slice %arg6[%dma_wait3A_102, %dma_wait3A_103] : memref<1600x32xf32, #tpu.memory_space<vmem>> -> memref<50x32xf32, #tpu.memory_space<vmem>>
        %dma_wait3A_105 = arith.constant 0 : i32
        %dma_wait3A_106 = arith.constant 0 : i32
        %dma_wait3A_107 = tpu.memref_slice %arg4[%add3A_79, %dma_wait3A_105, %dma_wait3A_106] : memref<16384x50x32xf32, #tpu.memory_space<hbm>> -> memref<1x50x32xf32, #tpu.memory_space<hbm>>
        %dma_wait3A_108 = tpu.memref_squeeze %dma_wait3A_107 : memref<1x50x32xf32, #tpu.memory_space<hbm>> -> memref<50x32xf32, #tpu.memory_space<hbm>>
        %dma_wait3A_109 = arith.constant 0 : i32
        %dma_wait3A_110 = arith.constant 0 : i32
        %dma_wait3A_111 = tpu.memref_slice %arg4[%add3A_79, %dma_wait3A_109, %dma_wait3A_110] : memref<16384x50x32xf32, #tpu.memory_space<hbm>> -> memref<1x50x32xf32, #tpu.memory_space<hbm>>
        %dma_wait3A_112 = tpu.memref_squeeze %dma_wait3A_111 : memref<1x50x32xf32, #tpu.memory_space<hbm>> -> memref<50x32xf32, #tpu.memory_space<hbm>>
        %dma_wait3A_113 = arith.constant 1350 : i32
        %dma_wait3A_114 = arith.constant 0 : i32
        %dma_wait3A_115 = tpu.memref_slice %arg6[%dma_wait3A_113, %dma_wait3A_114] : memref<1600x32xf32, #tpu.memory_space<vmem>> -> memref<50x32xf32, #tpu.memory_space<vmem>>
        tpu.wait_dma2 semaphore(%run_scoped3A : memref<!tpu.dma_semaphore, #tpu.memory_space<semaphore_mem>>) src(%dma_wait3A_115 : memref<50x32xf32, #tpu.memory_space<vmem>>) dst(%dma_wait3A_112 : memref<50x32xf32, #tpu.memory_space<hbm>>)
        tpu.yield
      }) : () -> ()
      %add3A_80 = arith.constant 28 : i32
      %add3A_81 = arith.addi %add3A_17, %add3A_80 : i32
      "tpu.region"() ({
        %run_scoped3A = tpu.sem_alloc : memref<!tpu.dma_semaphore, #tpu.memory_space<semaphore_mem>>
        %dma_start3A_88 = arith.constant 1400 : i32
        %dma_start3A_89 = arith.constant 0 : i32
        %dma_start3A_90 = tpu.memref_slice %arg6[%dma_start3A_88, %dma_start3A_89] : memref<1600x32xf32, #tpu.memory_space<vmem>> -> memref<50x32xf32, #tpu.memory_space<vmem>>
        %dma_start3A_91 = arith.constant 0 : i32
        %dma_start3A_92 = arith.constant 0 : i32
        %dma_start3A_93 = tpu.memref_slice %arg4[%add3A_81, %dma_start3A_91, %dma_start3A_92] : memref<16384x50x32xf32, #tpu.memory_space<hbm>> -> memref<1x50x32xf32, #tpu.memory_space<hbm>>
        %dma_start3A_94 = tpu.memref_squeeze %dma_start3A_93 : memref<1x50x32xf32, #tpu.memory_space<hbm>> -> memref<50x32xf32, #tpu.memory_space<hbm>>
        %dma_start3A_95 = arith.constant 0 : i32
        %dma_start3A_96 = arith.constant 0 : i32
        %dma_start3A_97 = tpu.memref_slice %arg4[%add3A_81, %dma_start3A_95, %dma_start3A_96] : memref<16384x50x32xf32, #tpu.memory_space<hbm>> -> memref<1x50x32xf32, #tpu.memory_space<hbm>>
        %dma_start3A_98 = tpu.memref_squeeze %dma_start3A_97 : memref<1x50x32xf32, #tpu.memory_space<hbm>> -> memref<50x32xf32, #tpu.memory_space<hbm>>
        %dma_start3A_99 = arith.constant 1400 : i32
        %dma_start3A_100 = arith.constant 0 : i32
        %dma_start3A_101 = tpu.memref_slice %arg6[%dma_start3A_99, %dma_start3A_100] : memref<1600x32xf32, #tpu.memory_space<vmem>> -> memref<50x32xf32, #tpu.memory_space<vmem>>
        tpu.enqueue_dma source(%dma_start3A_101 : memref<50x32xf32, #tpu.memory_space<vmem>>) target(%dma_start3A_98 : memref<50x32xf32, #tpu.memory_space<hbm>>) target_semaphore(%run_scoped3A : memref<!tpu.dma_semaphore, #tpu.memory_space<semaphore_mem>>)
        %dma_wait3A_102 = arith.constant 1400 : i32
        %dma_wait3A_103 = arith.constant 0 : i32
        %dma_wait3A_104 = tpu.memref_slice %arg6[%dma_wait3A_102, %dma_wait3A_103] : memref<1600x32xf32, #tpu.memory_space<vmem>> -> memref<50x32xf32, #tpu.memory_space<vmem>>
        %dma_wait3A_105 = arith.constant 0 : i32
        %dma_wait3A_106 = arith.constant 0 : i32
        %dma_wait3A_107 = tpu.memref_slice %arg4[%add3A_81, %dma_wait3A_105, %dma_wait3A_106] : memref<16384x50x32xf32, #tpu.memory_space<hbm>> -> memref<1x50x32xf32, #tpu.memory_space<hbm>>
        %dma_wait3A_108 = tpu.memref_squeeze %dma_wait3A_107 : memref<1x50x32xf32, #tpu.memory_space<hbm>> -> memref<50x32xf32, #tpu.memory_space<hbm>>
        %dma_wait3A_109 = arith.constant 0 : i32
        %dma_wait3A_110 = arith.constant 0 : i32
        %dma_wait3A_111 = tpu.memref_slice %arg4[%add3A_81, %dma_wait3A_109, %dma_wait3A_110] : memref<16384x50x32xf32, #tpu.memory_space<hbm>> -> memref<1x50x32xf32, #tpu.memory_space<hbm>>
        %dma_wait3A_112 = tpu.memref_squeeze %dma_wait3A_111 : memref<1x50x32xf32, #tpu.memory_space<hbm>> -> memref<50x32xf32, #tpu.memory_space<hbm>>
        %dma_wait3A_113 = arith.constant 1400 : i32
        %dma_wait3A_114 = arith.constant 0 : i32
        %dma_wait3A_115 = tpu.memref_slice %arg6[%dma_wait3A_113, %dma_wait3A_114] : memref<1600x32xf32, #tpu.memory_space<vmem>> -> memref<50x32xf32, #tpu.memory_space<vmem>>
        tpu.wait_dma2 semaphore(%run_scoped3A : memref<!tpu.dma_semaphore, #tpu.memory_space<semaphore_mem>>) src(%dma_wait3A_115 : memref<50x32xf32, #tpu.memory_space<vmem>>) dst(%dma_wait3A_112 : memref<50x32xf32, #tpu.memory_space<hbm>>)
        tpu.yield
      }) : () -> ()
      %add3A_82 = arith.constant 29 : i32
      %add3A_83 = arith.addi %add3A_17, %add3A_82 : i32
      "tpu.region"() ({
        %run_scoped3A = tpu.sem_alloc : memref<!tpu.dma_semaphore, #tpu.memory_space<semaphore_mem>>
        %dma_start3A_88 = arith.constant 1450 : i32
        %dma_start3A_89 = arith.constant 0 : i32
        %dma_start3A_90 = tpu.memref_slice %arg6[%dma_start3A_88, %dma_start3A_89] : memref<1600x32xf32, #tpu.memory_space<vmem>> -> memref<50x32xf32, #tpu.memory_space<vmem>>
        %dma_start3A_91 = arith.constant 0 : i32
        %dma_start3A_92 = arith.constant 0 : i32
        %dma_start3A_93 = tpu.memref_slice %arg4[%add3A_83, %dma_start3A_91, %dma_start3A_92] : memref<16384x50x32xf32, #tpu.memory_space<hbm>> -> memref<1x50x32xf32, #tpu.memory_space<hbm>>
        %dma_start3A_94 = tpu.memref_squeeze %dma_start3A_93 : memref<1x50x32xf32, #tpu.memory_space<hbm>> -> memref<50x32xf32, #tpu.memory_space<hbm>>
        %dma_start3A_95 = arith.constant 0 : i32
        %dma_start3A_96 = arith.constant 0 : i32
        %dma_start3A_97 = tpu.memref_slice %arg4[%add3A_83, %dma_start3A_95, %dma_start3A_96] : memref<16384x50x32xf32, #tpu.memory_space<hbm>> -> memref<1x50x32xf32, #tpu.memory_space<hbm>>
        %dma_start3A_98 = tpu.memref_squeeze %dma_start3A_97 : memref<1x50x32xf32, #tpu.memory_space<hbm>> -> memref<50x32xf32, #tpu.memory_space<hbm>>
        %dma_start3A_99 = arith.constant 1450 : i32
        %dma_start3A_100 = arith.constant 0 : i32
        %dma_start3A_101 = tpu.memref_slice %arg6[%dma_start3A_99, %dma_start3A_100] : memref<1600x32xf32, #tpu.memory_space<vmem>> -> memref<50x32xf32, #tpu.memory_space<vmem>>
        tpu.enqueue_dma source(%dma_start3A_101 : memref<50x32xf32, #tpu.memory_space<vmem>>) target(%dma_start3A_98 : memref<50x32xf32, #tpu.memory_space<hbm>>) target_semaphore(%run_scoped3A : memref<!tpu.dma_semaphore, #tpu.memory_space<semaphore_mem>>)
        %dma_wait3A_102 = arith.constant 1450 : i32
        %dma_wait3A_103 = arith.constant 0 : i32
        %dma_wait3A_104 = tpu.memref_slice %arg6[%dma_wait3A_102, %dma_wait3A_103] : memref<1600x32xf32, #tpu.memory_space<vmem>> -> memref<50x32xf32, #tpu.memory_space<vmem>>
        %dma_wait3A_105 = arith.constant 0 : i32
        %dma_wait3A_106 = arith.constant 0 : i32
        %dma_wait3A_107 = tpu.memref_slice %arg4[%add3A_83, %dma_wait3A_105, %dma_wait3A_106] : memref<16384x50x32xf32, #tpu.memory_space<hbm>> -> memref<1x50x32xf32, #tpu.memory_space<hbm>>
        %dma_wait3A_108 = tpu.memref_squeeze %dma_wait3A_107 : memref<1x50x32xf32, #tpu.memory_space<hbm>> -> memref<50x32xf32, #tpu.memory_space<hbm>>
        %dma_wait3A_109 = arith.constant 0 : i32
        %dma_wait3A_110 = arith.constant 0 : i32
        %dma_wait3A_111 = tpu.memref_slice %arg4[%add3A_83, %dma_wait3A_109, %dma_wait3A_110] : memref<16384x50x32xf32, #tpu.memory_space<hbm>> -> memref<1x50x32xf32, #tpu.memory_space<hbm>>
        %dma_wait3A_112 = tpu.memref_squeeze %dma_wait3A_111 : memref<1x50x32xf32, #tpu.memory_space<hbm>> -> memref<50x32xf32, #tpu.memory_space<hbm>>
        %dma_wait3A_113 = arith.constant 1450 : i32
        %dma_wait3A_114 = arith.constant 0 : i32
        %dma_wait3A_115 = tpu.memref_slice %arg6[%dma_wait3A_113, %dma_wait3A_114] : memref<1600x32xf32, #tpu.memory_space<vmem>> -> memref<50x32xf32, #tpu.memory_space<vmem>>
        tpu.wait_dma2 semaphore(%run_scoped3A : memref<!tpu.dma_semaphore, #tpu.memory_space<semaphore_mem>>) src(%dma_wait3A_115 : memref<50x32xf32, #tpu.memory_space<vmem>>) dst(%dma_wait3A_112 : memref<50x32xf32, #tpu.memory_space<hbm>>)
        tpu.yield
      }) : () -> ()
      %add3A_84 = arith.constant 30 : i32
      %add3A_85 = arith.addi %add3A_17, %add3A_84 : i32
      "tpu.region"() ({
        %run_scoped3A = tpu.sem_alloc : memref<!tpu.dma_semaphore, #tpu.memory_space<semaphore_mem>>
        %dma_start3A_88 = arith.constant 1500 : i32
        %dma_start3A_89 = arith.constant 0 : i32
        %dma_start3A_90 = tpu.memref_slice %arg6[%dma_start3A_88, %dma_start3A_89] : memref<1600x32xf32, #tpu.memory_space<vmem>> -> memref<50x32xf32, #tpu.memory_space<vmem>>
        %dma_start3A_91 = arith.constant 0 : i32
        %dma_start3A_92 = arith.constant 0 : i32
        %dma_start3A_93 = tpu.memref_slice %arg4[%add3A_85, %dma_start3A_91, %dma_start3A_92] : memref<16384x50x32xf32, #tpu.memory_space<hbm>> -> memref<1x50x32xf32, #tpu.memory_space<hbm>>
        %dma_start3A_94 = tpu.memref_squeeze %dma_start3A_93 : memref<1x50x32xf32, #tpu.memory_space<hbm>> -> memref<50x32xf32, #tpu.memory_space<hbm>>
        %dma_start3A_95 = arith.constant 0 : i32
        %dma_start3A_96 = arith.constant 0 : i32
        %dma_start3A_97 = tpu.memref_slice %arg4[%add3A_85, %dma_start3A_95, %dma_start3A_96] : memref<16384x50x32xf32, #tpu.memory_space<hbm>> -> memref<1x50x32xf32, #tpu.memory_space<hbm>>
        %dma_start3A_98 = tpu.memref_squeeze %dma_start3A_97 : memref<1x50x32xf32, #tpu.memory_space<hbm>> -> memref<50x32xf32, #tpu.memory_space<hbm>>
        %dma_start3A_99 = arith.constant 1500 : i32
        %dma_start3A_100 = arith.constant 0 : i32
        %dma_start3A_101 = tpu.memref_slice %arg6[%dma_start3A_99, %dma_start3A_100] : memref<1600x32xf32, #tpu.memory_space<vmem>> -> memref<50x32xf32, #tpu.memory_space<vmem>>
        tpu.enqueue_dma source(%dma_start3A_101 : memref<50x32xf32, #tpu.memory_space<vmem>>) target(%dma_start3A_98 : memref<50x32xf32, #tpu.memory_space<hbm>>) target_semaphore(%run_scoped3A : memref<!tpu.dma_semaphore, #tpu.memory_space<semaphore_mem>>)
        %dma_wait3A_102 = arith.constant 1500 : i32
        %dma_wait3A_103 = arith.constant 0 : i32
        %dma_wait3A_104 = tpu.memref_slice %arg6[%dma_wait3A_102, %dma_wait3A_103] : memref<1600x32xf32, #tpu.memory_space<vmem>> -> memref<50x32xf32, #tpu.memory_space<vmem>>
        %dma_wait3A_105 = arith.constant 0 : i32
        %dma_wait3A_106 = arith.constant 0 : i32
        %dma_wait3A_107 = tpu.memref_slice %arg4[%add3A_85, %dma_wait3A_105, %dma_wait3A_106] : memref<16384x50x32xf32, #tpu.memory_space<hbm>> -> memref<1x50x32xf32, #tpu.memory_space<hbm>>
        %dma_wait3A_108 = tpu.memref_squeeze %dma_wait3A_107 : memref<1x50x32xf32, #tpu.memory_space<hbm>> -> memref<50x32xf32, #tpu.memory_space<hbm>>
        %dma_wait3A_109 = arith.constant 0 : i32
        %dma_wait3A_110 = arith.constant 0 : i32
        %dma_wait3A_111 = tpu.memref_slice %arg4[%add3A_85, %dma_wait3A_109, %dma_wait3A_110] : memref<16384x50x32xf32, #tpu.memory_space<hbm>> -> memref<1x50x32xf32, #tpu.memory_space<hbm>>
        %dma_wait3A_112 = tpu.memref_squeeze %dma_wait3A_111 : memref<1x50x32xf32, #tpu.memory_space<hbm>> -> memref<50x32xf32, #tpu.memory_space<hbm>>
        %dma_wait3A_113 = arith.constant 1500 : i32
        %dma_wait3A_114 = arith.constant 0 : i32
        %dma_wait3A_115 = tpu.memref_slice %arg6[%dma_wait3A_113, %dma_wait3A_114] : memref<1600x32xf32, #tpu.memory_space<vmem>> -> memref<50x32xf32, #tpu.memory_space<vmem>>
        tpu.wait_dma2 semaphore(%run_scoped3A : memref<!tpu.dma_semaphore, #tpu.memory_space<semaphore_mem>>) src(%dma_wait3A_115 : memref<50x32xf32, #tpu.memory_space<vmem>>) dst(%dma_wait3A_112 : memref<50x32xf32, #tpu.memory_space<hbm>>)
        tpu.yield
      }) : () -> ()
      %add3A_86 = arith.constant 31 : i32
      %add3A_87 = arith.addi %add3A_17, %add3A_86 : i32
      "tpu.region"() ({
        %run_scoped3A = tpu.sem_alloc : memref<!tpu.dma_semaphore, #tpu.memory_space<semaphore_mem>>
        %dma_start3A_88 = arith.constant 1550 : i32
        %dma_start3A_89 = arith.constant 0 : i32
        %dma_start3A_90 = tpu.memref_slice %arg6[%dma_start3A_88, %dma_start3A_89] : memref<1600x32xf32, #tpu.memory_space<vmem>> -> memref<50x32xf32, #tpu.memory_space<vmem>>
        %dma_start3A_91 = arith.constant 0 : i32
        %dma_start3A_92 = arith.constant 0 : i32
        %dma_start3A_93 = tpu.memref_slice %arg4[%add3A_87, %dma_start3A_91, %dma_start3A_92] : memref<16384x50x32xf32, #tpu.memory_space<hbm>> -> memref<1x50x32xf32, #tpu.memory_space<hbm>>
        %dma_start3A_94 = tpu.memref_squeeze %dma_start3A_93 : memref<1x50x32xf32, #tpu.memory_space<hbm>> -> memref<50x32xf32, #tpu.memory_space<hbm>>
        %dma_start3A_95 = arith.constant 0 : i32
        %dma_start3A_96 = arith.constant 0 : i32
        %dma_start3A_97 = tpu.memref_slice %arg4[%add3A_87, %dma_start3A_95, %dma_start3A_96] : memref<16384x50x32xf32, #tpu.memory_space<hbm>> -> memref<1x50x32xf32, #tpu.memory_space<hbm>>
        %dma_start3A_98 = tpu.memref_squeeze %dma_start3A_97 : memref<1x50x32xf32, #tpu.memory_space<hbm>> -> memref<50x32xf32, #tpu.memory_space<hbm>>
        %dma_start3A_99 = arith.constant 1550 : i32
        %dma_start3A_100 = arith.constant 0 : i32
        %dma_start3A_101 = tpu.memref_slice %arg6[%dma_start3A_99, %dma_start3A_100] : memref<1600x32xf32, #tpu.memory_space<vmem>> -> memref<50x32xf32, #tpu.memory_space<vmem>>
        tpu.enqueue_dma source(%dma_start3A_101 : memref<50x32xf32, #tpu.memory_space<vmem>>) target(%dma_start3A_98 : memref<50x32xf32, #tpu.memory_space<hbm>>) target_semaphore(%run_scoped3A : memref<!tpu.dma_semaphore, #tpu.memory_space<semaphore_mem>>)
        %dma_wait3A_102 = arith.constant 1550 : i32
        %dma_wait3A_103 = arith.constant 0 : i32
        %dma_wait3A_104 = tpu.memref_slice %arg6[%dma_wait3A_102, %dma_wait3A_103] : memref<1600x32xf32, #tpu.memory_space<vmem>> -> memref<50x32xf32, #tpu.memory_space<vmem>>
        %dma_wait3A_105 = arith.constant 0 : i32
        %dma_wait3A_106 = arith.constant 0 : i32
        %dma_wait3A_107 = tpu.memref_slice %arg4[%add3A_87, %dma_wait3A_105, %dma_wait3A_106] : memref<16384x50x32xf32, #tpu.memory_space<hbm>> -> memref<1x50x32xf32, #tpu.memory_space<hbm>>
        %dma_wait3A_108 = tpu.memref_squeeze %dma_wait3A_107 : memref<1x50x32xf32, #tpu.memory_space<hbm>> -> memref<50x32xf32, #tpu.memory_space<hbm>>
        %dma_wait3A_109 = arith.constant 0 : i32
        %dma_wait3A_110 = arith.constant 0 : i32
        %dma_wait3A_111 = tpu.memref_slice %arg4[%add3A_87, %dma_wait3A_109, %dma_wait3A_110] : memref<16384x50x32xf32, #tpu.memory_space<hbm>> -> memref<1x50x32xf32, #tpu.memory_space<hbm>>
        %dma_wait3A_112 = tpu.memref_squeeze %dma_wait3A_111 : memref<1x50x32xf32, #tpu.memory_space<hbm>> -> memref<50x32xf32, #tpu.memory_space<hbm>>
        %dma_wait3A_113 = arith.constant 1550 : i32
        %dma_wait3A_114 = arith.constant 0 : i32
        %dma_wait3A_115 = tpu.memref_slice %arg6[%dma_wait3A_113, %dma_wait3A_114] : memref<1600x32xf32, #tpu.memory_space<vmem>> -> memref<50x32xf32, #tpu.memory_space<vmem>>
        tpu.wait_dma2 semaphore(%run_scoped3A : memref<!tpu.dma_semaphore, #tpu.memory_space<semaphore_mem>>) src(%dma_wait3A_115 : memref<50x32xf32, #tpu.memory_space<vmem>>) dst(%dma_wait3A_112 : memref<50x32xf32, #tpu.memory_space<hbm>>)
        tpu.yield
      }) : () -> ()
    }
    %scan3A_9 = arith.constant 16 : i32
    return
  }
}

</mosaic_0001>

<sc_bundles>
// kernel: kernel.3.cloned.1.call-start
scs
__scs_entry_jumppad:
0x0: {  	(pc) =	sbr.rel $0x88, $3  }
0x1: {  	(tag) =	ssettag $0x0;
	lr =	simm.s32 $0x1  }
0x2: {  	[smem:$0x3F9F] =	sst lr;
	_ =	strace $0xD0000000  }
0x3: {  	_ = 	snop  }
0x4: {  	_ = 	snop  }
0x5: {  	_ = 	snop  }
0x6: {  	_ = 	snop  }
0x7: {  	_ = 	snop  }
__scs_overlays_trampoline_lowered:
0x8: {  	[smem:$0x3FAE] =	sst s0  }
0x9: {  	[smem:$0x3FAF] =	sst s1  }
0xa: {  	[smem:$0x3FB0] =	sst s2  }
0xb: {  	[smem:$0x3FB1] =	sst s3  }
0xc: {  	[smem:$0x3FB2] =	sst s4  }
0xd: {  	[smem:$0x3FB3] =	sst s5  }
0xe: {  	[smem:$0x3FB4] =	sst s6  }
0xf: {  	[smem:$0x3FB5] =	sst s7  }
0x10: {  	[smem:$0x3FB6] =	sst s8  }
0x11: {  	[smem:$0x3FB7] =	sst s9;
	s0 =	simm.s32 @!p0 $0x0  }
0x12: {  	s1 =	sld [smem:$0x3F9D];
	s0 =	simm.s32 @p0 $0x1  }
0x13: {  	[smem:$0x3FB8] =	sst s0;
	s0 =	simm.s32 @!p1 $0x0  }
0x14: {  	s2 =	sld [smem:$0x3F9C];
	s0 =	simm.s32 @p1 $0x1  }
0x15: {  	[smem:$0x3FB9] =	sst s0;
	s0 =	simm.s32 @!p2 $0x0  }
0x16: {  	s3 =	sld [smem:$0x3FDB];
	s0 =	simm.s32 @p2 $0x1  }
0x17: {  	s4 =	simm.s32 $0x1BF5;
	[smem:$0x3FBB] =	sst s0  }
0x18: {  	s0 =	sld [smem:$0x3F9E];
	_ =	swait.ge [sflag:s4], $0x0  }
0x19: {  	s7 =	sld [smem:$0x3F9F]  }
0x1a: {  	s8 =	sadd.s32 $0xFFFFE003, lr  }
0x1b: {  	s9 =	sadd.s32 $0xFFFFFEF7, lr;
	s5 =	simm.s32 $0xFFFFFFFF;
	p2 =	slt.u32 s8, $0xFFFFF086  }
0x1c: {  	p1 =	slt.u32 s9, $0xF7A;
	s5 =	simm.s32 @!p2 $0x0  }
0x1d: {  	s5 =	simm.s32 @p1 $0x1;
	p0 =	seq.s32 s7, s2  }
0x1e: {  	s7 =	smul.u32 @!p0 $0xF7A, s2;
	p2 =	seq.s32 @!p0 s5, $0x0  }
0x1f: {  	s9 =	smul.u32 $0xF7A, s1;
	s8 =	simm.s32 @!p0 $0x1BF5;
	p2 =	por !p2, p0  }
0x20: {  	[sflag:s8] =	ssyncset.s32 @!p0 $0xFFFFF086;
	s6 =	sadd.s32 @!p0 s3, s7;
	s7 =	simm.s32 @!p0 $0x108  }
0x21: {  	s3 =	sadd.s32 s3, s9;
	s6 =	sadd.s32 @!p0 $0x88, s6;
	s7 =	simm.s32 @p2 $0x1082  }
0x22: {  	[simem:s7], [sflag:s8] =	dma.local @!p0 [hbm:s6], $0xF7A  }
0x23: {  	s9 =	sor.u32 $0xD0000000, s2;
	s6 =	simm.s32 $0x108;
	_ =	swait.ge @!p0 [sflag:s8], $0x0  }
0x24: {  	s3 =	sadd.s32 $0x88, s3;
	s6 =	simm.s32 @!p1 $0x1082;
	[sflag:s4] =	ssyncset.s32 $0xFFFFF086  }
0x25: {  	[simem:s6], [sflag:s4] =	dma.local [hbm:s3], $0xF7A  }
0x26: {  	[smem:$0x3F9F] =	sst s1;
	(tag) =	ssettag s2;
	_ =	strace s9  }
0x27: {  	s1 =	sld [smem:$0x3FAF]  }
0x28: {  	s2 =	sld [smem:$0x3FB0]  }
0x29: {  	s4 =	sld [smem:$0x3FB2]  }
0x2a: {  	p0 =	seq.s32 s5, $0x0;
	s5 =	sld [smem:$0x3FB3]  }
0x2b: {  	s6 =	sld [smem:$0x3FB4]  }
0x2c: {  	s7 =	sld [smem:$0x3FB5]  }
0x2d: {  	s3 =	simm.s32 $0x108;
	s8 =	sld [smem:$0x3FB6]  }
0x2e: {  	s3 =	simm.s32 @!p0 $0x1082;
	s9 =	sld [smem:$0x3FB7]  }
0x2f: {  	lr =	sadd.s32 s0, s3;
	s0 =	sld [smem:$0x3FAE]  }
0x30: {  	s3 =	sld [smem:$0x3FB1]  }
0x31: {  	[smem:$0x3FBA] =	sst s10  }
0x32: {  	s10 =	sld [smem:$0x3FB8];
	_ =	sdelay $0x3  }
0x33: {  	p0 =	seq.s32 s10, $0x1;
	s10 =	sld [smem:$0x3FBA];
	_ =	sdelay $0x3  }
0x34: {  	[smem:$0x3FBA] =	sst s10  }
0x35: {  	s10 =	sld [smem:$0x3FB9];
	_ =	sdelay $0x3  }
0x36: {  	p1 =	seq.s32 s10, $0x1;
	s10 =	sld [smem:$0x3FBA];
	_ =	sdelay $0x3  }
0x37: {  	[smem:$0x3FBA] =	sst s10  }
0x38: {  	s10 =	sld [smem:$0x3FBB]  }
0x39: {  	_ = 	snop;
	(pc) =	sbr.ind lr, $3  }
0x3a: {  	_ = 	snop  }
0x3b: {  	_ = 	snop  }
0x3c: {  	p2 =	seq.s32 s10, $0x1;
	s10 =	sld [smem:$0x3FBA]  }
0x3d: {  	_ =	shalt  }
0x3e: {  	_ =	shalt  }
0x3f: {  	_ =	shalt  }
0x40: {  	_ =	shalt  }
0x41: {  	_ =	shalt  }
0x42: {  	_ =	shalt  }
0x43: {  	_ =	shalt  }
0x44: {  	_ =	shalt  }
0x45: {  	_ =	shalt  }
0x46: {  	_ =	shalt  }
0x47: {  	_ =	shalt  }
0x48: {  	_ =	shalt  }
0x49: {  	_ =	shalt  }
0x4a: {  	_ =	shalt  }
0x4b: {  	_ =	shalt  }
0x4c: {  	_ =	shalt  }
0x4d: {  	_ =	shalt  }
0x4e: {  	_ =	shalt  }
0x4f: {  	_ =	shalt  }
0x50: {  	_ =	shalt  }
0x51: {  	_ =	shalt  }
0x52: {  	_ =	shalt  }
0x53: {  	_ =	shalt  }
0x54: {  	_ =	shalt  }
0x55: {  	_ =	shalt  }
0x56: {  	_ =	shalt  }
0x57: {  	_ =	shalt  }
0x58: {  	_ =	shalt  }
0x59: {  	_ =	shalt  }
0x5a: {  	_ =	shalt  }
0x5b: {  	_ =	shalt  }
0x5c: {  	_ =	shalt  }
0x5d: {  	_ =	shalt  }
0x5e: {  	_ =	shalt  }
0x5f: {  	_ =	shalt  }
0x60: {  	_ =	shalt  }
0x61: {  	_ =	shalt  }
0x62: {  	_ =	shalt  }
0x63: {  	_ =	shalt  }
0x64: {  	_ =	shalt  }
0x65: {  	_ =	shalt  }
0x66: {  	_ =	shalt  }
0x67: {  	_ =	shalt  }
0x68: {  	_ =	shalt  }
0x69: {  	_ =	shalt  }
0x6a: {  	_ =	shalt  }
0x6b: {  	_ =	shalt  }
0x6c: {  	_ =	shalt  }
0x6d: {  	_ =	shalt  }
0x6e: {  	_ =	shalt  }
0x6f: {  	_ =	shalt  }
0x70: {  	_ =	shalt  }
0x71: {  	_ =	shalt  }
0x72: {  	_ =	shalt  }
0x73: {  	_ =	shalt  }
0x74: {  	_ =	shalt  }
0x75: {  	_ =	shalt  }
0x76: {  	_ =	shalt  }
0x77: {  	_ =	shalt  }
0x78: {  	_ =	shalt  }
0x79: {  	_ =	shalt  }
0x7a: {  	_ =	shalt  }
0x7b: {  	_ =	shalt  }
0x7c: {  	_ =	shalt  }
0x7d: {  	_ =	shalt  }
0x7e: {  	_ =	shalt  }
0x7f: {  	_ =	shalt  }
0x80: {  	_ =	shalt  }
0x81: {  	_ =	shalt  }
0x82: {  	_ =	shalt  }
0x83: {  	_ =	shalt  }
0x84: {  	_ =	shalt  }
0x85: {  	_ =	shalt  }
0x86: {  	_ =	shalt  }
0x87: {  	_ =	shalt  }
.Lfunc_end0:
.L_simem_size_0:
called_computation.1_lowered:
.L_overlay_start_0:
0x88: {  	s2 =	sld [smem:$0x3FD9]  }
0x89: {  	s3 =	sld [smem:$0x3FFE];
	_ =	sdelay $0x1  }
0x8a: {  	s1 =	srdreg.scid  }
0x8b: {  	s0 =	sand.u32 $0x1, s1  }
0x8c: {  	s17 =	sshll.u32 s0, $0xA;
	s2 =	sadd.s32 s3, s2  }
0x8d: {  	s2 =	sadd.s32 s2, s17  }
0x8e: {  	[smem:$0x3FC6] =	sst s2  }
0x8f: {  	_ = 	snop  }
0x90: {  	s2 =	sld [smem:$0x3FD0];
	(tm) =	ssettm $0x1  }
0x91: {  	s18 =	sld [smem:$0x3FFB];
	_ =	sdelay $0x3  }
0x92: {  	_ =	strace s18  }
0x93: {  	s3 =	sld [smem:$0x3FFC];
	_ =	sdelay $0x3  }
0x94: {  	_ =	strace s3  }
0x95: {  	s3 =	sld [smem:$0x3FFD];
	_ =	sdelay $0x3  }
0x96: {  	_ =	strace s3  }
0x97: {  	_ =	strace $0x8FFFFFFF  }
0x98: {  	s19 =	sld [smem:$0x3FDB];
	_ =	sdelay $0x1  }
0x99: {  	s4 =	simm.s32 $_scs_section_size  }
0x9a: {  	s5 =	simm.s32 $_size__tile_overlayer_lowered;
	s6 =	simm.s32 $_tile_overlayer_lowered  }
0x9b: {  	s22 =	simm.s32 $0x1BFF;
	s21 =	sshll.u32 s6, $0x1;
	s3 =	sadd.s32 s4, s19  }
0x9c: {  	s7 =	simm.s32 $0x0;
	s20 =	sshll.u32 s5, $0x1;
	s5 =	sadd.s32 s21, s3  }
0x9d: {  	[timem:s7], [sflag:s22] =	dma.local [hbm:s5], s20  }
0x9e: {  	_ =	swait.ge [sflag:s22], s20  }
0x9f: {  	s4 =	ssub.s32 $0x0, s20;
	[sflag:s22] =	ssyncset.done $0x0  }
0xa0: {  	[sflag:s22] =	ssyncadd.s32 s4;
	_ =	sdelay $0x1  }
0xa1: {  	s23 =	simm.s32 $0x1B8B  }
0xa2: {  	_ =	swait.ge [sflag:s23], $0x1  }
0xa3: {  	[sflag:s23] =	ssyncset.done $0x0  }
0xa4: {  	s25 =	simm.s32 $0x1B8E;
	s24 =	sld [smem:$0x3FFE];
	[sflag:s23] =	ssyncadd.s32 $0xFFFFFFFF  }
0xa5: {  	s26 =	simm.s32 $execute0_lowered;
	[smem:$0x3FD2] =	sst s25  }
0xa6: {  	s5 =	sshll.u32 s26, $0x1;
	_ =	strace $0x80000046;
	[dreg:$0x1] =	wrdreg $0xFFFFFFFF  }
0xa7: {  	s28 =	simm.s32 $_size_execute0_lowered;
	s3 =	sadd.s32 s3, s5;
	[dreg:$0x0] =	wrdreg $0x0  }
0xa8: {  	s5 =	sshll.u32 s28, $0x1;
	[dreg:$0x2] =	wrdreg s3  }
0xa9: {  	[dreg:$0x3] =	wrdreg s5  }
0xaa: {  	[dreg:$0x4] =	wrdreg $0xC0  }
0xab: {  	_ =	task [dreg:s7], $0x5FFFF  }
0xac: {  	[dreg:$0x1] =	wrdreg $0xFFFFFFFF  }
0xad: {  	[dreg:$0x0] =	wrdreg $0x60  }
0xae: {  	[dreg:$0x2] =	wrdreg s24  }
0xaf: {  	[dreg:$0x3] =	wrdreg s2  }
0xb0: {  	[dreg:$0x4] =	wrdreg $0x9  }
0xb1: {  	_ =	task.clear_ibuf [dreg:s7], $0x5FFFF;
	_ =	strace $0x90000046  }
0xb2: {  	s29 =	simm.s32 $0x9;
	_ =	strace $0x80000048  }
0xb3: {  	_ =	swait.ge [sflag:s29], $0x1  }
0xb4: {  	[sflag:s29] =	ssyncadd.s32 $0xFFFFFFFF  }
0xb5: {  	_ =	strace $0x90000048  }
0xb6: {  	_ =	sfence  }
0xb7: {  	s30 =	sld [smem:$0x0];
	_ =	sdelay $0x2  }
0xb8: {  	s31 =	sshll.u32 s1, $0xD;
	s1 =	sshrl.u32 s1, $0x2  }
0xb9: {  	s3 =	sand.u32 $0x4000, s31;
	s1 =	sadd.s32 s1, s30  }
0xba: {  	s0 =	sor.u32 s3, s0;
	s1 =	sshll.u32 s1, $0x11  }
0xbb: {  	s0 =	sor.u32 s1, s0  }
0xbc: {  	s0 =	sadd.s32 $0x8F2B, s0  }
0xbd: {  	[sflag:s0] =	ssyncadd.remote.s32 $0x1  }
0xbe: {  	_ =	sfence.sel $0xFFFF  }
0xbf: {  	[dreg:$0x0] =	wrdreg $0xFFFFFFFF;
	(pc) =	sbr.abs _section_cstart, $3  }
0xc0: {  	[dreg:$0x1] =	wrdreg $0xFFFFFFFF  }
0xc1: {  	_ =	task.clear_ibuf [dreg:s7], $0x2FFFF;
	_ =	strace $0x9FFFFFFF  }
0xc2: {  	(tm) =	ssettm $0x7FFFFFFF  }
0xc3: {  	_ =	shalt  }
tec
execute0_lowered:
.L_overlay_start_1:
0x0: {  	(tag) =	ssettag $0x1  }
0x1: {  	s1 =	srdreg.scid  }
0x2: {  	s0 =	stileid.u32;
	s4 =	rddreg [dreg:$0x0]  }
0x3: {  	s5 =	rddreg [dreg:$0x1];
	s3 =	sand.u32 $0x1, s1;
	s6 =	smul.u32 $0x190000, s0  }
0x4: {  	s2 =	simm.s32 $0x0;
	s1 =	rddreg [dreg:$0x2];
	s7 =	smul.u32 $0xC8000, s3  }
0x5: {  	[smem:$0x7FF] =	sst s2  }
0x6: {  	s8 =	sadd.s32 $0xF42E00, s4;
	_ =	strace $0x80000047;
	s6 =	sadd.s32 s7, s6  }
0x7: {  	[dreg:$0x3] =	wrdreg s8;
	s7 =	sadd.s32 $0xC1C0, s6;
	s21 =	sadd.s32 $0xBB80, s6  }
0x8: {  	s23 =	sadd.s32 $0xB540, s6;
	s9 =	sadd.s32 $0xAF00, s6;
	s28 =	sadd.s32 $0xA8C0, s6  }
0x9: {  	s30 =	sadd.s32 $0xA280, s6;
	s31 =	sadd.s32 $0x9C40, s6;
	s13 =	sadd.s32 $0x9600, s6  }
0xa: {  	s15 =	sadd.s32 $0x8FC0, s6;
	s16 =	sadd.s32 $0x8980, s6;
	s20 =	sadd.s32 $0x8340, s6  }
0xb: {  	s7 =	sshrl.u32 s7, $0x3;
	s22 =	sshrl.u32 s21, $0x3;
	s8 =	sshrl.u32 s23, $0x3  }
0xc: {  	s25 =	sshrl.u32 s9, $0x3;
	s29 =	sshrl.u32 s28, $0x3;
	s11 =	sshrl.u32 s31, $0x3  }
0xd: {  	s14 =	sshrl.u32 s13, $0x3;
	s18 =	sshrl.u32 s16, $0x3;
	s9 =	simm.s32 $0xAF00  }
0xe: {  	s21 =	sshrl.u32 s20, $0x3;
	s7 =	sadd.s32 s7, s5;
	[smem:$0x7EA] =	sst s9  }
0xf: {  	s23 =	sor.u32 $0x76C0, s6;
	s24 =	sadd.s32 s8, s5;
	[dreg:$0x4] =	wrdreg s7  }
0x10: {  	s28 =	sor.u32 $0x7080, s6;
	s26 =	sadd.s32 s25, s5;
	[dreg:$0x6] =	wrdreg s24  }
0x11: {  	s31 =	sor.u32 $0x6400, s6;
	s12 =	sadd.s32 s11, s5;
	[dreg:$0x7] =	wrdreg s26  }
0x12: {  	s16 =	sor.u32 $0x5140, s6;
	s19 =	sadd.s32 s18, s5;
	[dreg:$0xa] =	wrdreg s12  }
0x13: {  	s8 =	sshrl.u32 s30, $0x3;
	s7 =	sadd.s32 s22, s5;
	[dreg:$0xd] =	wrdreg s19  }
0x14: {  	s25 =	sshrl.u32 s23, $0x3;
	s10 =	sadd.s32 s8, s5;
	[dreg:$0x5] =	wrdreg s7  }
0x15: {  	s11 =	sshrl.u32 s31, $0x3;
	s26 =	sadd.s32 s25, s5;
	[dreg:$0x9] =	wrdreg s10  }
0x16: {  	s18 =	sshrl.u32 s16, $0x3;
	s12 =	sadd.s32 s11, s5;
	[dreg:$0x10] =	wrdreg s26  }
0x17: {  	s23 =	sor.u32 $0x3E80, s6;
	s19 =	sadd.s32 s18, s5;
	[dreg:$0x13] =	wrdreg s12  }
0x18: {  	s25 =	sshrl.u32 s23, $0x3;
	s23 =	simm.s32 $0x6A40;
	[dreg:$0x16] =	wrdreg s19  }
0x19: {  	s8 =	sshrl.u32 s15, $0x3;
	s7 =	sadd.s32 s29, s5;
	[smem:$0x7DF] =	sst s23  }
0x1a: {  	s13 =	sor.u32 $0x5DC0, s6;
	s17 =	sadd.s32 s8, s5;
	[dreg:$0x8] =	wrdreg s7  }
0x1b: {  	s30 =	sor.u32 $0x6A40, s6;
	s26 =	sadd.s32 s25, s5;
	[dreg:$0xc] =	wrdreg s17  }
0x1c: {  	s31 =	sor.u32 $0x2BC0, s6;
	s25 =	simm.s32 $0x76C0;
	[dreg:$0x19] =	wrdreg s26  }
0x1d: {  	s22 =	sor.u32 $0x7D00, s6;
	s23 =	simm.s32 $0x10040;
	[smem:$0x7E1] =	sst s25  }
0x1e: {  	s8 =	sshrl.u32 s22, $0x3;
	s7 =	sadd.s32 s14, s5;
	[smem:$0x7F7] =	sst s23  }
0x1f: {  	s12 =	sor.u32 $0x2580, s6;
	s24 =	sadd.s32 s8, s5;
	[dreg:$0xb] =	wrdreg s7  }
0x20: {  	s14 =	sshrl.u32 s13, $0x3;
	s26 =	simm.s32 $0x7D00;
	[dreg:$0xf] =	wrdreg s24  }
0x21: {  	s13 =	sshrl.u32 s12, $0x3;
	s12 =	simm.s32 $0xC1C0;
	[smem:$0x7E2] =	sst s26  }
0x22: {  	s15 =	sor.u32 $0x5780, s6;
	s25 =	simm.s32 $0x10680;
	[smem:$0x7ED] =	sst s12  }
0x23: {  	s8 =	sshrl.u32 s30, $0x3;
	s7 =	sadd.s32 s21, s5;
	[smem:$0x7F8] =	sst s25  }
0x24: {  	s29 =	sshrl.u32 s28, $0x3;
	s10 =	sadd.s32 s8, s5;
	[dreg:$0xe] =	wrdreg s7  }
0x25: {  	s22 =	sor.u32 $0x44C0, s6;
	s26 =	simm.s32 $0x10CC0;
	[dreg:$0x12] =	wrdreg s10  }
0x26: {  	s8 =	sshrl.u32 s15, $0x3;
	s7 =	sadd.s32 s29, s5;
	[smem:$0x7F9] =	sst s26  }
0x27: {  	s28 =	sor.u32 $0x3840, s6;
	s17 =	sadd.s32 s8, s5;
	[dreg:$0x11] =	wrdreg s7  }
0x28: {  	s8 =	sshrl.u32 s22, $0x3;
	s22 =	simm.s32 $0x640;
	[dreg:$0x15] =	wrdreg s17  }
0x29: {  	s29 =	sshrl.u32 s28, $0x3;
	s28 =	simm.s32 $0x8340;
	[smem:$0x7DE] =	sst s22  }
0x2a: {  	s10 =	sshrl.u32 s31, $0x3;
	s31 =	simm.s32 $0x9600;
	[smem:$0x7E3] =	sst s28  }
0x2b: {  	s7 =	sadd.s32 s14, s5;
	[smem:$0x7E6] =	sst s31  }
0x2c: {  	s24 =	sadd.s32 s8, s5;
	[dreg:$0x14] =	wrdreg s7  }
0x2d: {  	s30 =	sor.u32 $0x3200, s6;
	s11 =	sadd.s32 s10, s5;
	[dreg:$0x18] =	wrdreg s24  }
0x2e: {  	s8 =	sshrl.u32 s30, $0x3;
	s30 =	simm.s32 $0x8FC0;
	[dreg:$0x1c] =	wrdreg s11  }
0x2f: {  	s15 =	sor.u32 $0x1900, s6;
	s10 =	simm.s32 $0xB540;
	[smem:$0x7E5] =	sst s30  }
0x30: {  	s17 =	sshrl.u32 s15, $0x3;
	s15 =	simm.s32 $0xD480;
	[smem:$0x7EB] =	sst s10  }
0x31: {  	s22 =	simm.s32 $0xFA00;
	[smem:$0x7F0] =	sst s15  }
0x32: {  	s20 =	sor.u32 $0x4B00, s6;
	s28 =	simm.s32 $0x11300;
	[smem:$0x7F6] =	sst s22  }
0x33: {  	s21 =	sshrl.u32 s20, $0x3;
	s31 =	simm.s32 $0x125C0;
	[smem:$0x7FA] =	sst s28  }
0x34: {  	s7 =	sadd.s32 s21, s5;
	[smem:$0x7FD] =	sst s31  }
0x35: {  	s8 =	sadd.s32 s8, s5;
	[dreg:$0x17] =	wrdreg s7  }
0x36: {  	s18 =	sadd.s32 s17, s5;
	[dreg:$0x1b] =	wrdreg s8  }
0x37: {  	s19 =	sor.u32 $0x12C0, s6;
	s24 =	simm.s32 $0x7080;
	[dreg:$0x1f] =	wrdreg s18  }
0x38: {  	s14 =	sor.u32 $0x1F40, s6;
	s11 =	simm.s32 $0xBB80;
	[smem:$0x7E0] =	sst s24  }
0x39: {  	s6 =	sor.u32 $0xC80, s6;
	s30 =	simm.s32 $0x11F80;
	[smem:$0x7EC] =	sst s11  }
0x3a: {  	s6 =	sshrl.u32 s6, $0x3;
	s7 =	sadd.s32 s29, s5;
	[smem:$0x7FC] =	sst s30  }
0x3b: {  	s6 =	sadd.s32 s6, s5;
	[dreg:$0x1a] =	wrdreg s7  }
0x3c: {  	s29 =	simm.s32 $0x8980;
	[smem:$0x7DC] =	sst s6  }
0x3d: {  	s8 =	sshrl.u32 s14, $0x3;
	s14 =	simm.s32 $0xCE40;
	[smem:$0x7E4] =	sst s29  }
0x3e: {  	s18 =	simm.s32 $0xE100;
	[smem:$0x7EF] =	sst s14  }
0x3f: {  	s7 =	sadd.s32 s13, s5;
	[smem:$0x7F2] =	sst s18  }
0x40: {  	s16 =	sadd.s32 s8, s5;
	[dreg:$0x1d] =	wrdreg s7  }
0x41: {  	s6 =	simm.s32 $0x9C40;
	[dreg:$0x1e] =	wrdreg s16  }
0x42: {  	s8 =	simm.s32 $0xA8C0;
	[smem:$0x7E7] =	sst s6  }
0x43: {  	s20 =	smul.u32 $0x32000, s0;
	s13 =	simm.s32 $0xC800;
	[smem:$0x7E9] =	sst s8  }
0x44: {  	s21 =	smul.u32 $0x19000, s3;
	s29 =	simm.s32 $0x11940;
	[smem:$0x7EE] =	sst s13  }
0x45: {  	s17 =	sshll.u32 s0, $0x1;
	s16 =	simm.s32 $0xDAC0;
	[smem:$0x7FB] =	sst s29  }
0x46: {  	s7 =	sshrl.u32 s19, $0x3;
	s19 =	simm.s32 $0xE740;
	[smem:$0x7F1] =	sst s16  }
0x47: {  	s6 =	sor.u32 s3, s17;
	s7 =	sadd.s32 s7, s5;
	[smem:$0x7F3] =	sst s19  }
0x48: {  	s5 =	sadd.s32 s20, s5;
	s20 =	simm.s32 $0xED80;
	[smem:$0x7DB] =	sst s7  }
0x49: {  	s3 =	ssub.s32 $0x2, s3;
	s5 =	sadd.s32 s21, s5;
	[smem:$0x7F4] =	sst s20  }
0x4a: {  	s6 =	smul.u32 $0xC80, s6;
	s7 =	simm.s32 $0xA280;
	[smem:$0x7DD] =	sst s5  }
0x4b: {  	s8 =	simm.s32 $0x0;
	s21 =	simm.s32 $0xF3C0;
	[smem:$0x7E8] =	sst s7  }
0x4c: {  	s24 =	sshrl.u32 s3, $0x1;
	s4 =	sadd.s32 s6, s4;
	[smem:$0x7F5] =	sst s21  }
0x4d: {  	s6 =	ssub.s32 s3, s24;
	s5 =	simm.s32 $0x2;
	s7 =	simm.s32 $0x1  }
0x4e: {  	s3 =	sadd.s32 $0xA00, s4;
	s4 =	smax.u32 s6, $0x1;
	s6 =	simm.s32 $0x6400  }
.LBB2_1:
0x4f: {  	[tilespmem:s2], [sflag:$0x2] =	stream.linear.gather [hbm4b:s3+s2], $0x6400, $0x38;
	[tilespmem:$0x12C00] =	vst v63  }
0x50: {  	_ =	swait.ge [sflag:s5], $0x6400  }
0x51: {  	s9 =	sld [smem:$0x7DE]  }
0x52: {  	[sflag:s5] =	ssyncset.done $0x0  }
0x53: {  	s11 =	simm.s32 $0x0;
	s10 =	rddreg [dreg:$0x3];
	[sflag:s5] =	ssyncadd.s32 $0xFFFF9C00  }
0x54: {  	[tilespmem:s6], [sflag:$0x1] =	stream.indirect.gather [hbm4b:s10+s9], $0x20, s11, s9, $0xb8;
	[tilespmem:$0x12C00] =	vst v63  }
0x55: {  	_ =	swait.ge [sflag:s7], $0xC800  }
0x56: {  	s30 =	sld [smem:$0x7DD];
	_ =	sdelay $0x1  }
0x57: {  	[sflag:s7] =	ssyncset.done $0x0  }
0x58: {  	[sflag:s7] =	ssyncadd.s32 $0xFFFF3800;
	s9 =	sadd.s32 $0x0, s30  }
0x59: {  	[hbm4b:s9+s2] =	stream.linear.scatter [tilespmem:s6], [sflag:$0x2], $0x640, $0x38;
	[tilespmem:$0x12C00] =	vst v63  }
0x5a: {  	_ =	swait.ge [sflag:s5], $0x640  }
0x5b: {  	s31 =	sld [smem:$0x7DF]  }
0x5c: {  	[sflag:s5] =	ssyncset.done $0x0  }
0x5d: {  	s9 =	sadd.s32 $0xC8, s9;
	[sflag:s5] =	ssyncadd.s32 $0xFFFFF9C0  }
0x5e: {  	[hbm4b:s9+s2] =	stream.linear.scatter [tilespmem:s31], [sflag:$0x2], $0x640, $0x38;
	[tilespmem:$0x12C00] =	vst v63  }
0x5f: {  	_ =	swait.ge [sflag:s5], $0x640  }
0x60: {  	s11 =	sld [smem:$0x7DC]  }
0x61: {  	s12 =	sld [smem:$0x7E0]  }
0x62: {  	[sflag:s5] =	ssyncset.done $0x0  }
0x63: {  	[sflag:s5] =	ssyncadd.s32 $0xFFFFF9C0;
	s9 =	sadd.s32 $0x0, s11  }
0x64: {  	[hbm4b:s9+s2] =	stream.linear.scatter [tilespmem:s12], [sflag:$0x2], $0x640, $0x38;
	[tilespmem:$0x12C00] =	vst v63  }
0x65: {  	_ =	swait.ge [sflag:s5], $0x640  }
0x66: {  	s13 =	sld [smem:$0x7DB]  }
0x67: {  	s14 =	sld [smem:$0x7E1]  }
0x68: {  	[sflag:s5] =	ssyncset.done $0x0  }
0x69: {  	[sflag:s5] =	ssyncadd.s32 $0xFFFFF9C0;
	s9 =	sadd.s32 $0x0, s13  }
0x6a: {  	[hbm4b:s9+s2] =	stream.linear.scatter [tilespmem:s14], [sflag:$0x2], $0x640, $0x38;
	[tilespmem:$0x12C00] =	vst v63  }
0x6b: {  	_ =	swait.ge [sflag:s5], $0x640  }
0x6c: {  	s16 =	sld [smem:$0x7E2]  }
0x6d: {  	s15 =	rddreg [dreg:$0x1f];
	[sflag:s5] =	ssyncset.done $0x0  }
0x6e: {  	[sflag:s5] =	ssyncadd.s32 $0xFFFFF9C0;
	s9 =	sadd.s32 $0x0, s15  }
0x6f: {  	[hbm4b:s9+s2] =	stream.linear.scatter [tilespmem:s16], [sflag:$0x2], $0x640, $0x38;
	[tilespmem:$0x12C00] =	vst v63  }
0x70: {  	_ =	swait.ge [sflag:s5], $0x640  }
0x71: {  	s18 =	sld [smem:$0x7E3]  }
0x72: {  	s17 =	rddreg [dreg:$0x1e];
	[sflag:s5] =	ssyncset.done $0x0  }
0x73: {  	[sflag:s5] =	ssyncadd.s32 $0xFFFFF9C0;
	s9 =	sadd.s32 $0x0, s17  }
0x74: {  	[hbm4b:s9+s2] =	stream.linear.scatter [tilespmem:s18], [sflag:$0x2], $0x640, $0x38;
	[tilespmem:$0x12C00] =	vst v63  }
0x75: {  	_ =	swait.ge [sflag:s5], $0x640  }
0x76: {  	s20 =	sld [smem:$0x7E4]  }
0x77: {  	s19 =	rddreg [dreg:$0x1d];
	[sflag:s5] =	ssyncset.done $0x0  }
0x78: {  	[sflag:s5] =	ssyncadd.s32 $0xFFFFF9C0;
	s9 =	sadd.s32 $0x0, s19  }
0x79: {  	[hbm4b:s9+s2] =	stream.linear.scatter [tilespmem:s20], [sflag:$0x2], $0x640, $0x38;
	[tilespmem:$0x12C00] =	vst v63  }
0x7a: {  	_ =	swait.ge [sflag:s5], $0x640  }
0x7b: {  	s22 =	sld [smem:$0x7E5]  }
0x7c: {  	s21 =	rddreg [dreg:$0x1c];
	[sflag:s5] =	ssyncset.done $0x0  }
0x7d: {  	[sflag:s5] =	ssyncadd.s32 $0xFFFFF9C0;
	s9 =	sadd.s32 $0x0, s21  }
0x7e: {  	[hbm4b:s9+s2] =	stream.linear.scatter [tilespmem:s22], [sflag:$0x2], $0x640, $0x38;
	[tilespmem:$0x12C00] =	vst v63  }
0x7f: {  	_ =	swait.ge [sflag:s5], $0x640  }
0x80: {  	s24 =	sld [smem:$0x7E6]  }
0x81: {  	s23 =	rddreg [dreg:$0x1b];
	[sflag:s5] =	ssyncset.done $0x0  }
0x82: {  	[sflag:s5] =	ssyncadd.s32 $0xFFFFF9C0;
	s9 =	sadd.s32 $0x0, s23  }
0x83: {  	[hbm4b:s9+s2] =	stream.linear.scatter [tilespmem:s24], [sflag:$0x2], $0x640, $0x38;
	[tilespmem:$0x12C00] =	vst v63  }
0x84: {  	_ =	swait.ge [sflag:s5], $0x640  }
0x85: {  	s26 =	sld [smem:$0x7E7]  }
0x86: {  	s25 =	rddreg [dreg:$0x1a];
	[sflag:s5] =	ssyncset.done $0x0  }
0x87: {  	[sflag:s5] =	ssyncadd.s32 $0xFFFFF9C0;
	s9 =	sadd.s32 $0x0, s25  }
0x88: {  	[hbm4b:s9+s2] =	stream.linear.scatter [tilespmem:s26], [sflag:$0x2], $0x640, $0x38;
	[tilespmem:$0x12C00] =	vst v63  }
0x89: {  	_ =	swait.ge [sflag:s5], $0x640  }
0x8a: {  	s29 =	sld [smem:$0x7E8]  }
0x8b: {  	s28 =	rddreg [dreg:$0x19];
	[sflag:s5] =	ssyncset.done $0x0  }
0x8c: {  	[sflag:s5] =	ssyncadd.s32 $0xFFFFF9C0;
	s9 =	sadd.s32 $0x0, s28  }
0x8d: {  	[hbm4b:s9+s2] =	stream.linear.scatter [tilespmem:s29], [sflag:$0x2], $0x640, $0x38;
	[tilespmem:$0x12C00] =	vst v63  }
0x8e: {  	_ =	swait.ge [sflag:s5], $0x640  }
0x8f: {  	s31 =	sld [smem:$0x7E9]  }
0x90: {  	s30 =	rddreg [dreg:$0x18];
	[sflag:s5] =	ssyncset.done $0x0  }
0x91: {  	[sflag:s5] =	ssyncadd.s32 $0xFFFFF9C0;
	s9 =	sadd.s32 $0x0, s30  }
0x92: {  	[hbm4b:s9+s2] =	stream.linear.scatter [tilespmem:s31], [sflag:$0x2], $0x640, $0x38;
	[tilespmem:$0x12C00] =	vst v63  }
0x93: {  	_ =	swait.ge [sflag:s5], $0x640  }
0x94: {  	s12 =	sld [smem:$0x7EA]  }
0x95: {  	s11 =	rddreg [dreg:$0x17];
	[sflag:s5] =	ssyncset.done $0x0  }
0x96: {  	[sflag:s5] =	ssyncadd.s32 $0xFFFFF9C0;
	s9 =	sadd.s32 $0x0, s11  }
0x97: {  	[hbm4b:s9+s2] =	stream.linear.scatter [tilespmem:s12], [sflag:$0x2], $0x640, $0x38;
	[tilespmem:$0x12C00] =	vst v63  }
0x98: {  	_ =	swait.ge [sflag:s5], $0x640  }
0x99: {  	s14 =	sld [smem:$0x7EB]  }
0x9a: {  	s13 =	rddreg [dreg:$0x16];
	[sflag:s5] =	ssyncset.done $0x0  }
0x9b: {  	[sflag:s5] =	ssyncadd.s32 $0xFFFFF9C0;
	s9 =	sadd.s32 $0x0, s13  }
0x9c: {  	[hbm4b:s9+s2] =	stream.linear.scatter [tilespmem:s14], [sflag:$0x2], $0x640, $0x38;
	[tilespmem:$0x12C00] =	vst v63  }
0x9d: {  	_ =	swait.ge [sflag:s5], $0x640  }
0x9e: {  	s16 =	sld [smem:$0x7EC]  }
0x9f: {  	s15 =	rddreg [dreg:$0x15];
	[sflag:s5] =	ssyncset.done $0x0  }
0xa0: {  	[sflag:s5] =	ssyncadd.s32 $0xFFFFF9C0;
	s9 =	sadd.s32 $0x0, s15  }
0xa1: {  	[hbm4b:s9+s2] =	stream.linear.scatter [tilespmem:s16], [sflag:$0x2], $0x640, $0x38;
	[tilespmem:$0x12C00] =	vst v63  }
0xa2: {  	_ =	swait.ge [sflag:s5], $0x640  }
0xa3: {  	s18 =	sld [smem:$0x7ED]  }
0xa4: {  	s17 =	rddreg [dreg:$0x14];
	[sflag:s5] =	ssyncset.done $0x0  }
0xa5: {  	[sflag:s5] =	ssyncadd.s32 $0xFFFFF9C0;
	s9 =	sadd.s32 $0x0, s17  }
0xa6: {  	[hbm4b:s9+s2] =	stream.linear.scatter [tilespmem:s18], [sflag:$0x2], $0x640, $0x38;
	[tilespmem:$0x12C00] =	vst v63  }
0xa7: {  	_ =	swait.ge [sflag:s5], $0x640  }
0xa8: {  	s20 =	sld [smem:$0x7EE]  }
0xa9: {  	s19 =	rddreg [dreg:$0x13];
	[sflag:s5] =	ssyncset.done $0x0  }
0xaa: {  	[sflag:s5] =	ssyncadd.s32 $0xFFFFF9C0;
	s9 =	sadd.s32 $0x0, s19  }
0xab: {  	[hbm4b:s9+s2] =	stream.linear.scatter [tilespmem:s20], [sflag:$0x2], $0x640, $0x38;
	[tilespmem:$0x12C00] =	vst v63  }
0xac: {  	_ =	swait.ge [sflag:s5], $0x640  }
0xad: {  	s22 =	sld [smem:$0x7EF]  }
0xae: {  	s21 =	rddreg [dreg:$0x12];
	[sflag:s5] =	ssyncset.done $0x0  }
0xaf: {  	[sflag:s5] =	ssyncadd.s32 $0xFFFFF9C0;
	s9 =	sadd.s32 $0x0, s21  }
0xb0: {  	[hbm4b:s9+s2] =	stream.linear.scatter [tilespmem:s22], [sflag:$0x2], $0x640, $0x38;
	[tilespmem:$0x12C00] =	vst v63  }
0xb1: {  	_ =	swait.ge [sflag:s5], $0x640  }
0xb2: {  	s24 =	sld [smem:$0x7F0]  }
0xb3: {  	s23 =	rddreg [dreg:$0x11];
	[sflag:s5] =	ssyncset.done $0x0  }
0xb4: {  	[sflag:s5] =	ssyncadd.s32 $0xFFFFF9C0;
	s9 =	sadd.s32 $0x0, s23  }
0xb5: {  	[hbm4b:s9+s2] =	stream.linear.scatter [tilespmem:s24], [sflag:$0x2], $0x640, $0x38;
	[tilespmem:$0x12C00] =	vst v63  }
0xb6: {  	_ =	swait.ge [sflag:s5], $0x640  }
0xb7: {  	s26 =	sld [smem:$0x7F1]  }
0xb8: {  	s25 =	rddreg [dreg:$0x10];
	[sflag:s5] =	ssyncset.done $0x0  }
0xb9: {  	[sflag:s5] =	ssyncadd.s32 $0xFFFFF9C0;
	s9 =	sadd.s32 $0x0, s25  }
0xba: {  	[hbm4b:s9+s2] =	stream.linear.scatter [tilespmem:s26], [sflag:$0x2], $0x640, $0x38;
	[tilespmem:$0x12C00] =	vst v63  }
0xbb: {  	_ =	swait.ge [sflag:s5], $0x640  }
0xbc: {  	s29 =	sld [smem:$0x7F2]  }
0xbd: {  	s28 =	rddreg [dreg:$0xf];
	[sflag:s5] =	ssyncset.done $0x0  }
0xbe: {  	[sflag:s5] =	ssyncadd.s32 $0xFFFFF9C0;
	s9 =	sadd.s32 $0x0, s28  }
0xbf: {  	[hbm4b:s9+s2] =	stream.linear.scatter [tilespmem:s29], [sflag:$0x2], $0x640, $0x38;
	[tilespmem:$0x12C00] =	vst v63  }
0xc0: {  	_ =	swait.ge [sflag:s5], $0x640  }
0xc1: {  	s31 =	sld [smem:$0x7F3]  }
0xc2: {  	s30 =	rddreg [dreg:$0xe];
	[sflag:s5] =	ssyncset.done $0x0  }
0xc3: {  	[sflag:s5] =	ssyncadd.s32 $0xFFFFF9C0;
	s9 =	sadd.s32 $0x0, s30  }
0xc4: {  	[hbm4b:s9+s2] =	stream.linear.scatter [tilespmem:s31], [sflag:$0x2], $0x640, $0x38;
	[tilespmem:$0x12C00] =	vst v63  }
0xc5: {  	_ =	swait.ge [sflag:s5], $0x640  }
0xc6: {  	s12 =	sld [smem:$0x7F4]  }
0xc7: {  	s11 =	rddreg [dreg:$0xd];
	[sflag:s5] =	ssyncset.done $0x0  }
0xc8: {  	[sflag:s5] =	ssyncadd.s32 $0xFFFFF9C0;
	s9 =	sadd.s32 $0x0, s11  }
0xc9: {  	[hbm4b:s9+s2] =	stream.linear.scatter [tilespmem:s12], [sflag:$0x2], $0x640, $0x38;
	[tilespmem:$0x12C00] =	vst v63  }
0xca: {  	_ =	swait.ge [sflag:s5], $0x640  }
0xcb: {  	s14 =	sld [smem:$0x7F5]  }
0xcc: {  	s13 =	rddreg [dreg:$0xc];
	[sflag:s5] =	ssyncset.done $0x0  }
0xcd: {  	[sflag:s5] =	ssyncadd.s32 $0xFFFFF9C0;
	s9 =	sadd.s32 $0x0, s13  }
0xce: {  	[hbm4b:s9+s2] =	stream.linear.scatter [tilespmem:s14], [sflag:$0x2], $0x640, $0x38;
	[tilespmem:$0x12C00] =	vst v63  }
0xcf: {  	_ =	swait.ge [sflag:s5], $0x640  }
0xd0: {  	s16 =	sld [smem:$0x7F6]  }
0xd1: {  	s15 =	rddreg [dreg:$0xb];
	[sflag:s5] =	ssyncset.done $0x0  }
0xd2: {  	[sflag:s5] =	ssyncadd.s32 $0xFFFFF9C0;
	s9 =	sadd.s32 $0x0, s15  }
0xd3: {  	[hbm4b:s9+s2] =	stream.linear.scatter [tilespmem:s16], [sflag:$0x2], $0x640, $0x38;
	[tilespmem:$0x12C00] =	vst v63  }
0xd4: {  	_ =	swait.ge [sflag:s5], $0x640  }
0xd5: {  	s18 =	sld [smem:$0x7F7]  }
0xd6: {  	s17 =	rddreg [dreg:$0xa];
	[sflag:s5] =	ssyncset.done $0x0  }
0xd7: {  	[sflag:s5] =	ssyncadd.s32 $0xFFFFF9C0;
	s9 =	sadd.s32 $0x0, s17  }
0xd8: {  	[hbm4b:s9+s2] =	stream.linear.scatter [tilespmem:s18], [sflag:$0x2], $0x640, $0x38;
	[tilespmem:$0x12C00] =	vst v63  }
0xd9: {  	_ =	swait.ge [sflag:s5], $0x640  }
0xda: {  	s20 =	sld [smem:$0x7F8]  }
0xdb: {  	s19 =	rddreg [dreg:$0x9];
	[sflag:s5] =	ssyncset.done $0x0  }
0xdc: {  	[sflag:s5] =	ssyncadd.s32 $0xFFFFF9C0;
	s9 =	sadd.s32 $0x0, s19  }
0xdd: {  	[hbm4b:s9+s2] =	stream.linear.scatter [tilespmem:s20], [sflag:$0x2], $0x640, $0x38;
	[tilespmem:$0x12C00] =	vst v63  }
0xde: {  	_ =	swait.ge [sflag:s5], $0x640  }
0xdf: {  	s22 =	sld [smem:$0x7F9]  }
0xe0: {  	s21 =	rddreg [dreg:$0x8];
	[sflag:s5] =	ssyncset.done $0x0  }
0xe1: {  	[sflag:s5] =	ssyncadd.s32 $0xFFFFF9C0;
	s9 =	sadd.s32 $0x0, s21  }
0xe2: {  	[hbm4b:s9+s2] =	stream.linear.scatter [tilespmem:s22], [sflag:$0x2], $0x640, $0x38;
	[tilespmem:$0x12C00] =	vst v63  }
0xe3: {  	_ =	swait.ge [sflag:s5], $0x640  }
0xe4: {  	s24 =	sld [smem:$0x7FA]  }
0xe5: {  	s23 =	rddreg [dreg:$0x7];
	[sflag:s5] =	ssyncset.done $0x0  }
0xe6: {  	[sflag:s5] =	ssyncadd.s32 $0xFFFFF9C0;
	s9 =	sadd.s32 $0x0, s23  }
0xe7: {  	[hbm4b:s9+s2] =	stream.linear.scatter [tilespmem:s24], [sflag:$0x2], $0x640, $0x38;
	[tilespmem:$0x12C00] =	vst v63  }
0xe8: {  	_ =	swait.ge [sflag:s5], $0x640  }
0xe9: {  	s26 =	sld [smem:$0x7FB]  }
0xea: {  	s25 =	rddreg [dreg:$0x6];
	[sflag:s5] =	ssyncset.done $0x0  }
0xeb: {  	[sflag:s5] =	ssyncadd.s32 $0xFFFFF9C0;
	s9 =	sadd.s32 $0x0, s25  }
0xec: {  	[hbm4b:s9+s2] =	stream.linear.scatter [tilespmem:s26], [sflag:$0x2], $0x640, $0x38;
	[tilespmem:$0x12C00] =	vst v63  }
0xed: {  	_ =	swait.ge [sflag:s5], $0x640  }
0xee: {  	s29 =	sld [smem:$0x7FC]  }
0xef: {  	s28 =	rddreg [dreg:$0x5];
	[sflag:s5] =	ssyncset.done $0x0  }
0xf0: {  	[sflag:s5] =	ssyncadd.s32 $0xFFFFF9C0;
	s9 =	sadd.s32 $0x0, s28  }
0xf1: {  	[hbm4b:s9+s2] =	stream.linear.scatter [tilespmem:s29], [sflag:$0x2], $0x640, $0x38;
	[tilespmem:$0x12C00] =	vst v63  }
0xf2: {  	_ =	swait.ge [sflag:s5], $0x640  }
0xf3: {  	s31 =	sld [smem:$0x7FD]  }
0xf4: {  	s30 =	rddreg [dreg:$0x4];
	[sflag:s5] =	ssyncset.done $0x0  }
0xf5: {  	[sflag:s5] =	ssyncadd.s32 $0xFFFFF9C0;
	s9 =	sadd.s32 $0x0, s30  }
0xf6: {  	[hbm4b:s9+s2] =	stream.linear.scatter [tilespmem:s31], [sflag:$0x2], $0x640, $0x38;
	[tilespmem:$0x12C00] =	vst v63  }
0xf7: {  	s10 =	simm.s32 $0x3200;
	_ =	swait.ge [sflag:s5], $0x640  }
0xf8: {  	s9 =	simm.s32 $0x1900;
	s12 =	sld [smem:$0x7DE];
	[sflag:s5] =	ssyncset.done $0x0  }
.LBB2_2:
0xf9: {  	_ = 	snop  }
0xfa: {  	s13 =	rddreg [dreg:$0x3];
	[sflag:s5] =	ssyncadd.s32 $0xFFFFF9C0;
	s14 =	sshra.s32 s9, $0x2  }
0xfb: {  	[tilespmem:s6], [sflag:$0x1] =	stream.indirect.gather [hbm4b:s13+s12], $0x20, s14, s12, $0xb8;
	[tilespmem:$0x12C00] =	vst v63  }
0xfc: {  	_ =	swait.ge [sflag:s7], $0xC800  }
0xfd: {  	s23 =	sld [smem:$0x7DD];
	_ =	sdelay $0x1  }
0xfe: {  	[sflag:s7] =	ssyncset.done $0x0  }
0xff: {  	[sflag:s7] =	ssyncadd.s32 $0xFFFF3800;
	s12 =	sadd.s32 s9, s23  }
0x100: {  	[hbm4b:s12+s2] =	stream.linear.scatter [tilespmem:s6], [sflag:$0x2], $0x640, $0x38;
	[tilespmem:$0x12C00] =	vst v63  }
0x101: {  	_ =	swait.ge [sflag:s5], $0x640  }
0x102: {  	s24 =	sld [smem:$0x7DF]  }
0x103: {  	[sflag:s5] =	ssyncset.done $0x0  }
0x104: {  	s12 =	sadd.s32 $0xC8, s12;
	[sflag:s5] =	ssyncadd.s32 $0xFFFFF9C0  }
0x105: {  	[hbm4b:s12+s2] =	stream.linear.scatter [tilespmem:s24], [sflag:$0x2], $0x640, $0x38;
	[tilespmem:$0x12C00] =	vst v63  }
0x106: {  	_ =	swait.ge [sflag:s5], $0x640  }
0x107: {  	s25 =	sld [smem:$0x7DC]  }
0x108: {  	s26 =	sld [smem:$0x7E0]  }
0x109: {  	[sflag:s5] =	ssyncset.done $0x0  }
0x10a: {  	[sflag:s5] =	ssyncadd.s32 $0xFFFFF9C0;
	s12 =	sadd.s32 s9, s25  }
0x10b: {  	[hbm4b:s12+s2] =	stream.linear.scatter [tilespmem:s26], [sflag:$0x2], $0x640, $0x38;
	[tilespmem:$0x12C00] =	vst v63  }
0x10c: {  	_ =	swait.ge [sflag:s5], $0x640  }
0x10d: {  	s28 =	sld [smem:$0x7DB]  }
0x10e: {  	s29 =	sld [smem:$0x7E1]  }
0x10f: {  	[sflag:s5] =	ssyncset.done $0x0  }
0x110: {  	[sflag:s5] =	ssyncadd.s32 $0xFFFFF9C0;
	s12 =	sadd.s32 s9, s28  }
0x111: {  	[hbm4b:s12+s2] =	stream.linear.scatter [tilespmem:s29], [sflag:$0x2], $0x640, $0x38;
	[tilespmem:$0x12C00] =	vst v63  }
0x112: {  	_ =	swait.ge [sflag:s5], $0x640  }
0x113: {  	s31 =	sld [smem:$0x7E2]  }
0x114: {  	s30 =	rddreg [dreg:$0x1f];
	[sflag:s5] =	ssyncset.done $0x0  }
0x115: {  	[sflag:s5] =	ssyncadd.s32 $0xFFFFF9C0;
	s12 =	sadd.s32 s9, s30  }
0x116: {  	[hbm4b:s12+s2] =	stream.linear.scatter [tilespmem:s31], [sflag:$0x2], $0x640, $0x38;
	[tilespmem:$0x12C00] =	vst v63  }
0x117: {  	_ =	swait.ge [sflag:s5], $0x640  }
0x118: {  	s14 =	sld [smem:$0x7E3]  }
0x119: {  	s13 =	rddreg [dreg:$0x1e];
	[sflag:s5] =	ssyncset.done $0x0  }
0x11a: {  	[sflag:s5] =	ssyncadd.s32 $0xFFFFF9C0;
	s12 =	sadd.s32 s9, s13  }
0x11b: {  	[hbm4b:s12+s2] =	stream.linear.scatter [tilespmem:s14], [sflag:$0x2], $0x640, $0x38;
	[tilespmem:$0x12C00] =	vst v63  }
0x11c: {  	_ =	swait.ge [sflag:s5], $0x640  }
0x11d: {  	s16 =	sld [smem:$0x7E4]  }
0x11e: {  	s15 =	rddreg [dreg:$0x1d];
	[sflag:s5] =	ssyncset.done $0x0  }
0x11f: {  	[sflag:s5] =	ssyncadd.s32 $0xFFFFF9C0;
	s12 =	sadd.s32 s9, s15  }
0x120: {  	[hbm4b:s12+s2] =	stream.linear.scatter [tilespmem:s16], [sflag:$0x2], $0x640, $0x38;
	[tilespmem:$0x12C00] =	vst v63  }
0x121: {  	_ =	swait.ge [sflag:s5], $0x640  }
0x122: {  	s18 =	sld [smem:$0x7E5]  }
0x123: {  	s17 =	rddreg [dreg:$0x1c];
	[sflag:s5] =	ssyncset.done $0x0  }
0x124: {  	[sflag:s5] =	ssyncadd.s32 $0xFFFFF9C0;
	s12 =	sadd.s32 s9, s17  }
0x125: {  	[hbm4b:s12+s2] =	stream.linear.scatter [tilespmem:s18], [sflag:$0x2], $0x640, $0x38;
	[tilespmem:$0x12C00] =	vst v63  }
0x126: {  	_ =	swait.ge [sflag:s5], $0x640  }
0x127: {  	s20 =	sld [smem:$0x7E6]  }
0x128: {  	s19 =	rddreg [dreg:$0x1b];
	[sflag:s5] =	ssyncset.done $0x0  }
0x129: {  	[sflag:s5] =	ssyncadd.s32 $0xFFFFF9C0;
	s12 =	sadd.s32 s9, s19  }
0x12a: {  	[hbm4b:s12+s2] =	stream.linear.scatter [tilespmem:s20], [sflag:$0x2], $0x640, $0x38;
	[tilespmem:$0x12C00] =	vst v63  }
0x12b: {  	_ =	swait.ge [sflag:s5], $0x640  }
0x12c: {  	s22 =	sld [smem:$0x7E7]  }
0x12d: {  	s21 =	rddreg [dreg:$0x1a];
	[sflag:s5] =	ssyncset.done $0x0  }
0x12e: {  	[sflag:s5] =	ssyncadd.s32 $0xFFFFF9C0;
	s12 =	sadd.s32 s9, s21  }
0x12f: {  	[hbm4b:s12+s2] =	stream.linear.scatter [tilespmem:s22], [sflag:$0x2], $0x640, $0x38;
	[tilespmem:$0x12C00] =	vst v63  }
0x130: {  	_ =	swait.ge [sflag:s5], $0x640  }
0x131: {  	s24 =	sld [smem:$0x7E8]  }
0x132: {  	s23 =	rddreg [dreg:$0x19];
	[sflag:s5] =	ssyncset.done $0x0  }
0x133: {  	[sflag:s5] =	ssyncadd.s32 $0xFFFFF9C0;
	s12 =	sadd.s32 s9, s23  }
0x134: {  	[hbm4b:s12+s2] =	stream.linear.scatter [tilespmem:s24], [sflag:$0x2], $0x640, $0x38;
	[tilespmem:$0x12C00] =	vst v63  }
0x135: {  	_ =	swait.ge [sflag:s5], $0x640  }
0x136: {  	s26 =	sld [smem:$0x7E9]  }
0x137: {  	s25 =	rddreg [dreg:$0x18];
	[sflag:s5] =	ssyncset.done $0x0  }
0x138: {  	[sflag:s5] =	ssyncadd.s32 $0xFFFFF9C0;
	s12 =	sadd.s32 s9, s25  }
0x139: {  	[hbm4b:s12+s2] =	stream.linear.scatter [tilespmem:s26], [sflag:$0x2], $0x640, $0x38;
	[tilespmem:$0x12C00] =	vst v63  }
0x13a: {  	_ =	swait.ge [sflag:s5], $0x640  }
0x13b: {  	s29 =	sld [smem:$0x7EA]  }
0x13c: {  	s28 =	rddreg [dreg:$0x17];
	[sflag:s5] =	ssyncset.done $0x0  }
0x13d: {  	[sflag:s5] =	ssyncadd.s32 $0xFFFFF9C0;
	s12 =	sadd.s32 s9, s28  }
0x13e: {  	[hbm4b:s12+s2] =	stream.linear.scatter [tilespmem:s29], [sflag:$0x2], $0x640, $0x38;
	[tilespmem:$0x12C00] =	vst v63  }
0x13f: {  	_ =	swait.ge [sflag:s5], $0x640  }
0x140: {  	s31 =	sld [smem:$0x7EB]  }
0x141: {  	s30 =	rddreg [dreg:$0x16];
	[sflag:s5] =	ssyncset.done $0x0  }
0x142: {  	[sflag:s5] =	ssyncadd.s32 $0xFFFFF9C0;
	s12 =	sadd.s32 s9, s30  }
0x143: {  	[hbm4b:s12+s2] =	stream.linear.scatter [tilespmem:s31], [sflag:$0x2], $0x640, $0x38;
	[tilespmem:$0x12C00] =	vst v63  }
0x144: {  	_ =	swait.ge [sflag:s5], $0x640  }
0x145: {  	s14 =	sld [smem:$0x7EC]  }
0x146: {  	s13 =	rddreg [dreg:$0x15];
	[sflag:s5] =	ssyncset.done $0x0  }
0x147: {  	[sflag:s5] =	ssyncadd.s32 $0xFFFFF9C0;
	s12 =	sadd.s32 s9, s13  }
0x148: {  	[hbm4b:s12+s2] =	stream.linear.scatter [tilespmem:s14], [sflag:$0x2], $0x640, $0x38;
	[tilespmem:$0x12C00] =	vst v63  }
0x149: {  	_ =	swait.ge [sflag:s5], $0x640  }
0x14a: {  	s16 =	sld [smem:$0x7ED]  }
0x14b: {  	s15 =	rddreg [dreg:$0x14];
	[sflag:s5] =	ssyncset.done $0x0  }
0x14c: {  	[sflag:s5] =	ssyncadd.s32 $0xFFFFF9C0;
	s12 =	sadd.s32 s9, s15  }
0x14d: {  	[hbm4b:s12+s2] =	stream.linear.scatter [tilespmem:s16], [sflag:$0x2], $0x640, $0x38;
	[tilespmem:$0x12C00] =	vst v63  }
0x14e: {  	_ =	swait.ge [sflag:s5], $0x640  }
0x14f: {  	s18 =	sld [smem:$0x7EE]  }
0x150: {  	s17 =	rddreg [dreg:$0x13];
	[sflag:s5] =	ssyncset.done $0x0  }
0x151: {  	[sflag:s5] =	ssyncadd.s32 $0xFFFFF9C0;
	s12 =	sadd.s32 s9, s17  }
0x152: {  	[hbm4b:s12+s2] =	stream.linear.scatter [tilespmem:s18], [sflag:$0x2], $0x640, $0x38;
	[tilespmem:$0x12C00] =	vst v63  }
0x153: {  	_ =	swait.ge [sflag:s5], $0x640  }
0x154: {  	s20 =	sld [smem:$0x7EF]  }
0x155: {  	s19 =	rddreg [dreg:$0x12];
	[sflag:s5] =	ssyncset.done $0x0  }
0x156: {  	[sflag:s5] =	ssyncadd.s32 $0xFFFFF9C0;
	s12 =	sadd.s32 s9, s19  }
0x157: {  	[hbm4b:s12+s2] =	stream.linear.scatter [tilespmem:s20], [sflag:$0x2], $0x640, $0x38;
	[tilespmem:$0x12C00] =	vst v63  }
0x158: {  	_ =	swait.ge [sflag:s5], $0x640  }
0x159: {  	s22 =	sld [smem:$0x7F0]  }
0x15a: {  	s21 =	rddreg [dreg:$0x11];
	[sflag:s5] =	ssyncset.done $0x0  }
0x15b: {  	[sflag:s5] =	ssyncadd.s32 $0xFFFFF9C0;
	s12 =	sadd.s32 s9, s21  }
0x15c: {  	[hbm4b:s12+s2] =	stream.linear.scatter [tilespmem:s22], [sflag:$0x2], $0x640, $0x38;
	[tilespmem:$0x12C00] =	vst v63  }
0x15d: {  	_ =	swait.ge [sflag:s5], $0x640  }
0x15e: {  	s24 =	sld [smem:$0x7F1]  }
0x15f: {  	s23 =	rddreg [dreg:$0x10];
	[sflag:s5] =	ssyncset.done $0x0  }
0x160: {  	[sflag:s5] =	ssyncadd.s32 $0xFFFFF9C0;
	s12 =	sadd.s32 s9, s23  }
0x161: {  	[hbm4b:s12+s2] =	stream.linear.scatter [tilespmem:s24], [sflag:$0x2], $0x640, $0x38;
	[tilespmem:$0x12C00] =	vst v63  }
0x162: {  	_ =	swait.ge [sflag:s5], $0x640  }
0x163: {  	s26 =	sld [smem:$0x7F2]  }
0x164: {  	s25 =	rddreg [dreg:$0xf];
	[sflag:s5] =	ssyncset.done $0x0  }
0x165: {  	[sflag:s5] =	ssyncadd.s32 $0xFFFFF9C0;
	s12 =	sadd.s32 s9, s25  }
0x166: {  	[hbm4b:s12+s2] =	stream.linear.scatter [tilespmem:s26], [sflag:$0x2], $0x640, $0x38;
	[tilespmem:$0x12C00] =	vst v63  }
0x167: {  	_ =	swait.ge [sflag:s5], $0x640  }
0x168: {  	s29 =	sld [smem:$0x7F3]  }
0x169: {  	s28 =	rddreg [dreg:$0xe];
	[sflag:s5] =	ssyncset.done $0x0  }
0x16a: {  	[sflag:s5] =	ssyncadd.s32 $0xFFFFF9C0;
	s12 =	sadd.s32 s9, s28  }
0x16b: {  	[hbm4b:s12+s2] =	stream.linear.scatter [tilespmem:s29], [sflag:$0x2], $0x640, $0x38;
	[tilespmem:$0x12C00] =	vst v63  }
0x16c: {  	_ =	swait.ge [sflag:s5], $0x640  }
0x16d: {  	s31 =	sld [smem:$0x7F4]  }
0x16e: {  	s30 =	rddreg [dreg:$0xd];
	[sflag:s5] =	ssyncset.done $0x0  }
0x16f: {  	[sflag:s5] =	ssyncadd.s32 $0xFFFFF9C0;
	s12 =	sadd.s32 s9, s30  }
0x170: {  	[hbm4b:s12+s2] =	stream.linear.scatter [tilespmem:s31], [sflag:$0x2], $0x640, $0x38;
	[tilespmem:$0x12C00] =	vst v63  }
0x171: {  	_ =	swait.ge [sflag:s5], $0x640  }
0x172: {  	s14 =	sld [smem:$0x7F5]  }
0x173: {  	s13 =	rddreg [dreg:$0xc];
	[sflag:s5] =	ssyncset.done $0x0  }
0x174: {  	[sflag:s5] =	ssyncadd.s32 $0xFFFFF9C0;
	s12 =	sadd.s32 s9, s13  }
0x175: {  	[hbm4b:s12+s2] =	stream.linear.scatter [tilespmem:s14], [sflag:$0x2], $0x640, $0x38;
	[tilespmem:$0x12C00] =	vst v63  }
0x176: {  	_ =	swait.ge [sflag:s5], $0x640  }
0x177: {  	s16 =	sld [smem:$0x7F6]  }
0x178: {  	s15 =	rddreg [dreg:$0xb];
	[sflag:s5] =	ssyncset.done $0x0  }
0x179: {  	[sflag:s5] =	ssyncadd.s32 $0xFFFFF9C0;
	s12 =	sadd.s32 s9, s15  }
0x17a: {  	[hbm4b:s12+s2] =	stream.linear.scatter [tilespmem:s16], [sflag:$0x2], $0x640, $0x38;
	[tilespmem:$0x12C00] =	vst v63  }
0x17b: {  	_ =	swait.ge [sflag:s5], $0x640  }
0x17c: {  	s18 =	sld [smem:$0x7F7]  }
0x17d: {  	s17 =	rddreg [dreg:$0xa];
	[sflag:s5] =	ssyncset.done $0x0  }
0x17e: {  	[sflag:s5] =	ssyncadd.s32 $0xFFFFF9C0;
	s12 =	sadd.s32 s9, s17  }
0x17f: {  	[hbm4b:s12+s2] =	stream.linear.scatter [tilespmem:s18], [sflag:$0x2], $0x640, $0x38;
	[tilespmem:$0x12C00] =	vst v63  }
0x180: {  	_ =	swait.ge [sflag:s5], $0x640  }
0x181: {  	s20 =	sld [smem:$0x7F8]  }
0x182: {  	s19 =	rddreg [dreg:$0x9];
	[sflag:s5] =	ssyncset.done $0x0  }
0x183: {  	[sflag:s5] =	ssyncadd.s32 $0xFFFFF9C0;
	s12 =	sadd.s32 s9, s19  }
0x184: {  	[hbm4b:s12+s2] =	stream.linear.scatter [tilespmem:s20], [sflag:$0x2], $0x640, $0x38;
	[tilespmem:$0x12C00] =	vst v63  }
0x185: {  	_ =	swait.ge [sflag:s5], $0x640  }
0x186: {  	s22 =	sld [smem:$0x7F9]  }
0x187: {  	s21 =	rddreg [dreg:$0x8];
	[sflag:s5] =	ssyncset.done $0x0  }
0x188: {  	[sflag:s5] =	ssyncadd.s32 $0xFFFFF9C0;
	s12 =	sadd.s32 s9, s21  }
0x189: {  	[hbm4b:s12+s2] =	stream.linear.scatter [tilespmem:s22], [sflag:$0x2], $0x640, $0x38;
	[tilespmem:$0x12C00] =	vst v63  }
0x18a: {  	_ =	swait.ge [sflag:s5], $0x640  }
0x18b: {  	s24 =	sld [smem:$0x7FA]  }
0x18c: {  	s23 =	rddreg [dreg:$0x7];
	[sflag:s5] =	ssyncset.done $0x0  }
0x18d: {  	[sflag:s5] =	ssyncadd.s32 $0xFFFFF9C0;
	s12 =	sadd.s32 s9, s23  }
0x18e: {  	[hbm4b:s12+s2] =	stream.linear.scatter [tilespmem:s24], [sflag:$0x2], $0x640, $0x38;
	[tilespmem:$0x12C00] =	vst v63  }
0x18f: {  	_ =	swait.ge [sflag:s5], $0x640  }
0x190: {  	s26 =	sld [smem:$0x7FB]  }
0x191: {  	s25 =	rddreg [dreg:$0x6];
	[sflag:s5] =	ssyncset.done $0x0  }
0x192: {  	[sflag:s5] =	ssyncadd.s32 $0xFFFFF9C0;
	s12 =	sadd.s32 s9, s25  }
0x193: {  	[hbm4b:s12+s2] =	stream.linear.scatter [tilespmem:s26], [sflag:$0x2], $0x640, $0x38;
	[tilespmem:$0x12C00] =	vst v63  }
0x194: {  	_ =	swait.ge [sflag:s5], $0x640  }
0x195: {  	s29 =	sld [smem:$0x7FC]  }
0x196: {  	s28 =	rddreg [dreg:$0x5];
	[sflag:s5] =	ssyncset.done $0x0  }
0x197: {  	[sflag:s5] =	ssyncadd.s32 $0xFFFFF9C0;
	s12 =	sadd.s32 s9, s28  }
0x198: {  	[hbm4b:s12+s2] =	stream.linear.scatter [tilespmem:s29], [sflag:$0x2], $0x640, $0x38;
	[tilespmem:$0x12C00] =	vst v63  }
0x199: {  	_ =	swait.ge [sflag:s5], $0x640  }
0x19a: {  	p0 =	sne.s32 s10, $0x17700;
	s31 =	sld [smem:$0x7FD]  }
.Ltmp0:
0x19b: {  	s30 =	rddreg [dreg:$0x4];
	[sflag:s5] =	ssyncset.done $0x0;
	(pc) =	sbr.rel @p0 .LBB2_2-.Ltmp0, $4  }
0x19c: {  	[sflag:s5] =	ssyncadd.s32 $0xFFFFF9C0;
	s12 =	sadd.s32 s9, s30  }
0x19d: {  	[hbm4b:s12+s2] =	stream.linear.scatter [tilespmem:s31], [sflag:$0x2], $0x640, $0x38;
	[tilespmem:$0x12C00] =	vst v63  }
0x19e: {  	s11 =	smov.u32 s10;
	s10 =	sadd.s32 $0x1900, s10;
	_ =	swait.ge [sflag:s5], $0x640  }
0x19f: {  	s9 =	smov.u32 s11;
	s12 =	sld [smem:$0x7DE];
	[sflag:s5] =	ssyncset.done $0x0  }
0x1a0: {  	_ = 	snop  }
0x1a1: {  	s10 =	rddreg [dreg:$0x3];
	[sflag:s5] =	ssyncadd.s32 $0xFFFFF9C0;
	s11 =	sshra.s32 s9, $0x2  }
0x1a2: {  	[tilespmem:s6], [sflag:$0x1] =	stream.indirect.gather [hbm4b:s10+s12], $0x20, s11, s12, $0xb8;
	[tilespmem:$0x12C00] =	vst v63  }
0x1a3: {  	_ =	swait.ge [sflag:s7], $0xC800  }
0x1a4: {  	s28 =	sld [smem:$0x7DD];
	_ =	sdelay $0x1  }
0x1a5: {  	[sflag:s7] =	ssyncset.done $0x0  }
0x1a6: {  	[sflag:s7] =	ssyncadd.s32 $0xFFFF3800;
	s10 =	sadd.s32 s9, s28  }
0x1a7: {  	[hbm4b:s10+s2] =	stream.linear.scatter [tilespmem:s6], [sflag:$0x2], $0x640, $0x38;
	[tilespmem:$0x12C00] =	vst v63  }
0x1a8: {  	_ =	swait.ge [sflag:s5], $0x640  }
0x1a9: {  	s29 =	sld [smem:$0x7DF]  }
0x1aa: {  	[sflag:s5] =	ssyncset.done $0x0  }
0x1ab: {  	s10 =	sadd.s32 $0xC8, s10;
	[sflag:s5] =	ssyncadd.s32 $0xFFFFF9C0  }
0x1ac: {  	[hbm4b:s10+s2] =	stream.linear.scatter [tilespmem:s29], [sflag:$0x2], $0x640, $0x38;
	[tilespmem:$0x12C00] =	vst v63  }
0x1ad: {  	_ =	swait.ge [sflag:s5], $0x640  }
0x1ae: {  	s30 =	sld [smem:$0x7DC]  }
0x1af: {  	s31 =	sld [smem:$0x7E0]  }
0x1b0: {  	[sflag:s5] =	ssyncset.done $0x0  }
0x1b1: {  	[sflag:s5] =	ssyncadd.s32 $0xFFFFF9C0;
	s10 =	sadd.s32 s9, s30  }
0x1b2: {  	[hbm4b:s10+s2] =	stream.linear.scatter [tilespmem:s31], [sflag:$0x2], $0x640, $0x38;
	[tilespmem:$0x12C00] =	vst v63  }
0x1b3: {  	_ =	swait.ge [sflag:s5], $0x640  }
0x1b4: {  	s11 =	sld [smem:$0x7DB]  }
0x1b5: {  	s12 =	sld [smem:$0x7E1]  }
0x1b6: {  	[sflag:s5] =	ssyncset.done $0x0  }
0x1b7: {  	[sflag:s5] =	ssyncadd.s32 $0xFFFFF9C0;
	s10 =	sadd.s32 s9, s11  }
0x1b8: {  	[hbm4b:s10+s2] =	stream.linear.scatter [tilespmem:s12], [sflag:$0x2], $0x640, $0x38;
	[tilespmem:$0x12C00] =	vst v63  }
0x1b9: {  	_ =	swait.ge [sflag:s5], $0x640  }
0x1ba: {  	s14 =	sld [smem:$0x7E2]  }
0x1bb: {  	s13 =	rddreg [dreg:$0x1f];
	[sflag:s5] =	ssyncset.done $0x0  }
0x1bc: {  	[sflag:s5] =	ssyncadd.s32 $0xFFFFF9C0;
	s10 =	sadd.s32 s9, s13  }
0x1bd: {  	[hbm4b:s10+s2] =	stream.linear.scatter [tilespmem:s14], [sflag:$0x2], $0x640, $0x38;
	[tilespmem:$0x12C00] =	vst v63  }
0x1be: {  	_ =	swait.ge [sflag:s5], $0x640  }
0x1bf: {  	s16 =	sld [smem:$0x7E3]  }
0x1c0: {  	s15 =	rddreg [dreg:$0x1e];
	[sflag:s5] =	ssyncset.done $0x0  }
0x1c1: {  	[sflag:s5] =	ssyncadd.s32 $0xFFFFF9C0;
	s10 =	sadd.s32 s9, s15  }
0x1c2: {  	[hbm4b:s10+s2] =	stream.linear.scatter [tilespmem:s16], [sflag:$0x2], $0x640, $0x38;
	[tilespmem:$0x12C00] =	vst v63  }
0x1c3: {  	_ =	swait.ge [sflag:s5], $0x640  }
0x1c4: {  	s18 =	sld [smem:$0x7E4]  }
0x1c5: {  	s17 =	rddreg [dreg:$0x1d];
	[sflag:s5] =	ssyncset.done $0x0  }
0x1c6: {  	[sflag:s5] =	ssyncadd.s32 $0xFFFFF9C0;
	s10 =	sadd.s32 s9, s17  }
0x1c7: {  	[hbm4b:s10+s2] =	stream.linear.scatter [tilespmem:s18], [sflag:$0x2], $0x640, $0x38;
	[tilespmem:$0x12C00] =	vst v63  }
0x1c8: {  	_ =	swait.ge [sflag:s5], $0x640  }
0x1c9: {  	s20 =	sld [smem:$0x7E5]  }
0x1ca: {  	s19 =	rddreg [dreg:$0x1c];
	[sflag:s5] =	ssyncset.done $0x0  }
0x1cb: {  	[sflag:s5] =	ssyncadd.s32 $0xFFFFF9C0;
	s10 =	sadd.s32 s9, s19  }
0x1cc: {  	[hbm4b:s10+s2] =	stream.linear.scatter [tilespmem:s20], [sflag:$0x2], $0x640, $0x38;
	[tilespmem:$0x12C00] =	vst v63  }
0x1cd: {  	_ =	swait.ge [sflag:s5], $0x640  }
0x1ce: {  	s22 =	sld [smem:$0x7E6]  }
0x1cf: {  	s21 =	rddreg [dreg:$0x1b];
	[sflag:s5] =	ssyncset.done $0x0  }
0x1d0: {  	[sflag:s5] =	ssyncadd.s32 $0xFFFFF9C0;
	s10 =	sadd.s32 s9, s21  }
0x1d1: {  	[hbm4b:s10+s2] =	stream.linear.scatter [tilespmem:s22], [sflag:$0x2], $0x640, $0x38;
	[tilespmem:$0x12C00] =	vst v63  }
0x1d2: {  	_ =	swait.ge [sflag:s5], $0x640  }
0x1d3: {  	s24 =	sld [smem:$0x7E7]  }
0x1d4: {  	s23 =	rddreg [dreg:$0x1a];
	[sflag:s5] =	ssyncset.done $0x0  }
0x1d5: {  	[sflag:s5] =	ssyncadd.s32 $0xFFFFF9C0;
	s10 =	sadd.s32 s9, s23  }
0x1d6: {  	[hbm4b:s10+s2] =	stream.linear.scatter [tilespmem:s24], [sflag:$0x2], $0x640, $0x38;
	[tilespmem:$0x12C00] =	vst v63  }
0x1d7: {  	_ =	swait.ge [sflag:s5], $0x640  }
0x1d8: {  	s26 =	sld [smem:$0x7E8]  }
0x1d9: {  	s25 =	rddreg [dreg:$0x19];
	[sflag:s5] =	ssyncset.done $0x0  }
0x1da: {  	[sflag:s5] =	ssyncadd.s32 $0xFFFFF9C0;
	s10 =	sadd.s32 s9, s25  }
0x1db: {  	[hbm4b:s10+s2] =	stream.linear.scatter [tilespmem:s26], [sflag:$0x2], $0x640, $0x38;
	[tilespmem:$0x12C00] =	vst v63  }
0x1dc: {  	_ =	swait.ge [sflag:s5], $0x640  }
0x1dd: {  	s29 =	sld [smem:$0x7E9]  }
0x1de: {  	s28 =	rddreg [dreg:$0x18];
	[sflag:s5] =	ssyncset.done $0x0  }
0x1df: {  	[sflag:s5] =	ssyncadd.s32 $0xFFFFF9C0;
	s10 =	sadd.s32 s9, s28  }
0x1e0: {  	[hbm4b:s10+s2] =	stream.linear.scatter [tilespmem:s29], [sflag:$0x2], $0x640, $0x38;
	[tilespmem:$0x12C00] =	vst v63  }
0x1e1: {  	_ =	swait.ge [sflag:s5], $0x640  }
0x1e2: {  	s31 =	sld [smem:$0x7EA]  }
0x1e3: {  	s30 =	rddreg [dreg:$0x17];
	[sflag:s5] =	ssyncset.done $0x0  }
0x1e4: {  	[sflag:s5] =	ssyncadd.s32 $0xFFFFF9C0;
	s10 =	sadd.s32 s9, s30  }
0x1e5: {  	[hbm4b:s10+s2] =	stream.linear.scatter [tilespmem:s31], [sflag:$0x2], $0x640, $0x38;
	[tilespmem:$0x12C00] =	vst v63  }
0x1e6: {  	_ =	swait.ge [sflag:s5], $0x640  }
0x1e7: {  	s12 =	sld [smem:$0x7EB]  }
0x1e8: {  	s11 =	rddreg [dreg:$0x16];
	[sflag:s5] =	ssyncset.done $0x0  }
0x1e9: {  	[sflag:s5] =	ssyncadd.s32 $0xFFFFF9C0;
	s10 =	sadd.s32 s9, s11  }
0x1ea: {  	[hbm4b:s10+s2] =	stream.linear.scatter [tilespmem:s12], [sflag:$0x2], $0x640, $0x38;
	[tilespmem:$0x12C00] =	vst v63  }
0x1eb: {  	_ =	swait.ge [sflag:s5], $0x640  }
0x1ec: {  	s14 =	sld [smem:$0x7EC]  }
0x1ed: {  	s13 =	rddreg [dreg:$0x15];
	[sflag:s5] =	ssyncset.done $0x0  }
0x1ee: {  	[sflag:s5] =	ssyncadd.s32 $0xFFFFF9C0;
	s10 =	sadd.s32 s9, s13  }
0x1ef: {  	[hbm4b:s10+s2] =	stream.linear.scatter [tilespmem:s14], [sflag:$0x2], $0x640, $0x38;
	[tilespmem:$0x12C00] =	vst v63  }
0x1f0: {  	_ =	swait.ge [sflag:s5], $0x640  }
0x1f1: {  	s16 =	sld [smem:$0x7ED]  }
0x1f2: {  	s15 =	rddreg [dreg:$0x14];
	[sflag:s5] =	ssyncset.done $0x0  }
0x1f3: {  	[sflag:s5] =	ssyncadd.s32 $0xFFFFF9C0;
	s10 =	sadd.s32 s9, s15  }
0x1f4: {  	[hbm4b:s10+s2] =	stream.linear.scatter [tilespmem:s16], [sflag:$0x2], $0x640, $0x38;
	[tilespmem:$0x12C00] =	vst v63  }
0x1f5: {  	_ =	swait.ge [sflag:s5], $0x640  }
0x1f6: {  	s18 =	sld [smem:$0x7EE]  }
0x1f7: {  	s17 =	rddreg [dreg:$0x13];
	[sflag:s5] =	ssyncset.done $0x0  }
0x1f8: {  	[sflag:s5] =	ssyncadd.s32 $0xFFFFF9C0;
	s10 =	sadd.s32 s9, s17  }
0x1f9: {  	[hbm4b:s10+s2] =	stream.linear.scatter [tilespmem:s18], [sflag:$0x2], $0x640, $0x38;
	[tilespmem:$0x12C00] =	vst v63  }
0x1fa: {  	_ =	swait.ge [sflag:s5], $0x640  }
0x1fb: {  	s20 =	sld [smem:$0x7EF]  }
0x1fc: {  	s19 =	rddreg [dreg:$0x12];
	[sflag:s5] =	ssyncset.done $0x0  }
0x1fd: {  	[sflag:s5] =	ssyncadd.s32 $0xFFFFF9C0;
	s10 =	sadd.s32 s9, s19  }
0x1fe: {  	[hbm4b:s10+s2] =	stream.linear.scatter [tilespmem:s20], [sflag:$0x2], $0x640, $0x38;
	[tilespmem:$0x12C00] =	vst v63  }
0x1ff: {  	_ =	swait.ge [sflag:s5], $0x640  }
0x200: {  	s22 =	sld [smem:$0x7F0]  }
0x201: {  	s21 =	rddreg [dreg:$0x11];
	[sflag:s5] =	ssyncset.done $0x0  }
0x202: {  	[sflag:s5] =	ssyncadd.s32 $0xFFFFF9C0;
	s10 =	sadd.s32 s9, s21  }
0x203: {  	[hbm4b:s10+s2] =	stream.linear.scatter [tilespmem:s22], [sflag:$0x2], $0x640, $0x38;
	[tilespmem:$0x12C00] =	vst v63  }
0x204: {  	_ =	swait.ge [sflag:s5], $0x640  }
0x205: {  	s24 =	sld [smem:$0x7F1]  }
0x206: {  	s23 =	rddreg [dreg:$0x10];
	[sflag:s5] =	ssyncset.done $0x0  }
0x207: {  	[sflag:s5] =	ssyncadd.s32 $0xFFFFF9C0;
	s10 =	sadd.s32 s9, s23  }
0x208: {  	[hbm4b:s10+s2] =	stream.linear.scatter [tilespmem:s24], [sflag:$0x2], $0x640, $0x38;
	[tilespmem:$0x12C00] =	vst v63  }
0x209: {  	_ =	swait.ge [sflag:s5], $0x640  }
0x20a: {  	s26 =	sld [smem:$0x7F2]  }
0x20b: {  	s25 =	rddreg [dreg:$0xf];
	[sflag:s5] =	ssyncset.done $0x0  }
0x20c: {  	[sflag:s5] =	ssyncadd.s32 $0xFFFFF9C0;
	s10 =	sadd.s32 s9, s25  }
0x20d: {  	[hbm4b:s10+s2] =	stream.linear.scatter [tilespmem:s26], [sflag:$0x2], $0x640, $0x38;
	[tilespmem:$0x12C00] =	vst v63  }
0x20e: {  	_ =	swait.ge [sflag:s5], $0x640  }
0x20f: {  	s29 =	sld [smem:$0x7F3]  }
0x210: {  	s28 =	rddreg [dreg:$0xe];
	[sflag:s5] =	ssyncset.done $0x0  }
0x211: {  	[sflag:s5] =	ssyncadd.s32 $0xFFFFF9C0;
	s10 =	sadd.s32 s9, s28  }
0x212: {  	[hbm4b:s10+s2] =	stream.linear.scatter [tilespmem:s29], [sflag:$0x2], $0x640, $0x38;
	[tilespmem:$0x12C00] =	vst v63  }
0x213: {  	_ =	swait.ge [sflag:s5], $0x640  }
0x214: {  	s31 =	sld [smem:$0x7F4]  }
0x215: {  	s30 =	rddreg [dreg:$0xd];
	[sflag:s5] =	ssyncset.done $0x0  }
0x216: {  	[sflag:s5] =	ssyncadd.s32 $0xFFFFF9C0;
	s10 =	sadd.s32 s9, s30  }
0x217: {  	[hbm4b:s10+s2] =	stream.linear.scatter [tilespmem:s31], [sflag:$0x2], $0x640, $0x38;
	[tilespmem:$0x12C00] =	vst v63  }
0x218: {  	_ =	swait.ge [sflag:s5], $0x640  }
0x219: {  	s13 =	sld [smem:$0x7F5]  }
0x21a: {  	s12 =	rddreg [dreg:$0xc];
	[sflag:s5] =	ssyncset.done $0x0  }
0x21b: {  	[sflag:s5] =	ssyncadd.s32 $0xFFFFF9C0;
	s10 =	sadd.s32 s9, s12  }
0x21c: {  	[hbm4b:s10+s2] =	stream.linear.scatter [tilespmem:s13], [sflag:$0x2], $0x640, $0x38;
	[tilespmem:$0x12C00] =	vst v63  }
0x21d: {  	_ =	swait.ge [sflag:s5], $0x640  }
0x21e: {  	s15 =	sld [smem:$0x7F6]  }
0x21f: {  	s14 =	rddreg [dreg:$0xb];
	[sflag:s5] =	ssyncset.done $0x0  }
0x220: {  	[sflag:s5] =	ssyncadd.s32 $0xFFFFF9C0;
	s10 =	sadd.s32 s9, s14  }
0x221: {  	[hbm4b:s10+s2] =	stream.linear.scatter [tilespmem:s15], [sflag:$0x2], $0x640, $0x38;
	[tilespmem:$0x12C00] =	vst v63  }
0x222: {  	_ =	swait.ge [sflag:s5], $0x640  }
0x223: {  	s17 =	sld [smem:$0x7F7]  }
0x224: {  	s16 =	rddreg [dreg:$0xa];
	[sflag:s5] =	ssyncset.done $0x0  }
0x225: {  	[sflag:s5] =	ssyncadd.s32 $0xFFFFF9C0;
	s10 =	sadd.s32 s9, s16  }
0x226: {  	[hbm4b:s10+s2] =	stream.linear.scatter [tilespmem:s17], [sflag:$0x2], $0x640, $0x38;
	[tilespmem:$0x12C00] =	vst v63  }
0x227: {  	_ =	swait.ge [sflag:s5], $0x640  }
0x228: {  	s19 =	sld [smem:$0x7F8]  }
0x229: {  	s18 =	rddreg [dreg:$0x9];
	[sflag:s5] =	ssyncset.done $0x0  }
0x22a: {  	[sflag:s5] =	ssyncadd.s32 $0xFFFFF9C0;
	s10 =	sadd.s32 s9, s18  }
0x22b: {  	[hbm4b:s10+s2] =	stream.linear.scatter [tilespmem:s19], [sflag:$0x2], $0x640, $0x38;
	[tilespmem:$0x12C00] =	vst v63  }
0x22c: {  	_ =	swait.ge [sflag:s5], $0x640  }
0x22d: {  	s21 =	sld [smem:$0x7F9]  }
0x22e: {  	s20 =	rddreg [dreg:$0x8];
	[sflag:s5] =	ssyncset.done $0x0  }
0x22f: {  	[sflag:s5] =	ssyncadd.s32 $0xFFFFF9C0;
	s10 =	sadd.s32 s9, s20  }
0x230: {  	[hbm4b:s10+s2] =	stream.linear.scatter [tilespmem:s21], [sflag:$0x2], $0x640, $0x38;
	[tilespmem:$0x12C00] =	vst v63  }
0x231: {  	_ =	swait.ge [sflag:s5], $0x640  }
0x232: {  	s23 =	sld [smem:$0x7FA]  }
0x233: {  	s22 =	rddreg [dreg:$0x7];
	[sflag:s5] =	ssyncset.done $0x0  }
0x234: {  	[sflag:s5] =	ssyncadd.s32 $0xFFFFF9C0;
	s10 =	sadd.s32 s9, s22  }
0x235: {  	[hbm4b:s10+s2] =	stream.linear.scatter [tilespmem:s23], [sflag:$0x2], $0x640, $0x38;
	[tilespmem:$0x12C00] =	vst v63  }
0x236: {  	_ =	swait.ge [sflag:s5], $0x640  }
0x237: {  	s25 =	sld [smem:$0x7FB]  }
0x238: {  	s24 =	rddreg [dreg:$0x6];
	[sflag:s5] =	ssyncset.done $0x0  }
0x239: {  	[sflag:s5] =	ssyncadd.s32 $0xFFFFF9C0;
	s10 =	sadd.s32 s9, s24  }
0x23a: {  	[hbm4b:s10+s2] =	stream.linear.scatter [tilespmem:s25], [sflag:$0x2], $0x640, $0x38;
	[tilespmem:$0x12C00] =	vst v63  }
0x23b: {  	_ =	swait.ge [sflag:s5], $0x640  }
0x23c: {  	s28 =	sld [smem:$0x7FC]  }
0x23d: {  	s26 =	rddreg [dreg:$0x5];
	[sflag:s5] =	ssyncset.done $0x0  }
0x23e: {  	[sflag:s5] =	ssyncadd.s32 $0xFFFFF9C0;
	s10 =	sadd.s32 s9, s26  }
0x23f: {  	[hbm4b:s10+s2] =	stream.linear.scatter [tilespmem:s28], [sflag:$0x2], $0x640, $0x38;
	[tilespmem:$0x12C00] =	vst v63  }
0x240: {  	_ =	swait.ge [sflag:s5], $0x640  }
0x241: {  	s8 =	sadd.s32 $0x1, s8;
	s30 =	sld [smem:$0x7FD]  }
0x242: {  	p0 =	sne.s32 s8, s4;
	s29 =	rddreg [dreg:$0x4];
	[sflag:s5] =	ssyncset.done $0x0  }
.Ltmp1:
0x243: {  	[sflag:s5] =	ssyncadd.s32 $0xFFFFF9C0;
	s31 =	sadd.s32 s9, s29;
	(pc) =	sbr.rel @p0 .LBB2_1-.Ltmp1, $4  }
0x244: {  	[hbm4b:s31+s2] =	stream.linear.scatter [tilespmem:s30], [sflag:$0x2], $0x640, $0x38;
	[tilespmem:$0x12C00] =	vst v63  }
0x245: {  	_ =	swait.ge [sflag:s5], $0x640  }
0x246: {  	[sflag:s5] =	ssyncset.done $0x0  }
0x247: {  	[sflag:s5] =	ssyncadd.s32 $0xFFFFF9C0  }
0x248: {  	_ =	sfence.sel $0x180000  }
0x249: {  	[bflag:$0x0] =	sbarrier.arrive $0xFFFF  }
0x24a: {  	p0 =	sne.s32 s0, $0x0;
	_ =	strace $0x90000047  }
0x24b: {  	s0 =	sadd.s32 @!p0 $0x100000, s1;
	[bflag:$0x2] =	sbarrier.arrive $0xFFFF  }
0x24c: {  	[sflag:s0] =	ssyncadd.tile.s32 @!p0 $0x1;
	_ =	shalt  }
.Lfunc_end2:
_tile_overlayer_lowered:
.L_overlay_start_2:
0x24d: {  	(tag) =	ssettag $0x2  }
0x24e: {  	s0 =	rddreg [dreg:$0x0];
	s2 =	stileid.u32  }
0x24f: {  	s1 =	rddreg [dreg:$0x1];
	p0 =	sne.s32 s2, $0x0  }
0x250: {  	s3 =	rddreg [dreg:$0x2];
	[bflag:$0x3] =	sbarrier.arrive $0xFFFF;
	s2 =	simm.s32 @!p0 $0x1C02  }
0x251: {  	[timem:s3], [sflag:s2] =	dma.local @!p0 [hbm:s0], s1  }
0x252: {  	s0 =	simm.s32 @!p0 $0x2  }
0x253: {  	_ =	swait.ge @!p0 [sflag:s0], s1  }
0x254: {  	s1 =	ssub.s32 @!p0 $0x0, s1;
	[sflag:s0] =	ssyncset.done @!p0 $0x0  }
0x255: {  	[sflag:s0] =	ssyncadd.s32 @!p0 s1  }
0x256: {  	[bflag:$0x3] =	sbarrier.arrive $0xFFFF  }
0x257: {  	_ =	shalt  }

// kernel: sparse-core-data-format-call.cloned.1.call-start
scs
called_computation_lowered:
.L_overlay_start_0:
0x0: {  	s2 =	sld [smem:$0x3FD9]  }
0x1: {  	s3 =	sld [smem:$0x3FFE];
	_ =	sdelay $0x1  }
0x2: {  	s1 =	srdreg.scid  }
0x3: {  	s0 =	sand.u32 $0x1, s1  }
0x4: {  	s18 =	sshll.u32 s0, $0xA;
	s2 =	sadd.s32 s3, s2  }
0x5: {  	s2 =	sadd.s32 s2, s18  }
0x6: {  	[smem:$0x3FC6] =	sst s2  }
0x7: {  	_ = 	snop  }
0x8: {  	s2 =	sld [smem:$0x3FD0];
	(tm) =	ssettm $0x1  }
0x9: {  	s19 =	sld [smem:$0x3FFB];
	_ =	sdelay $0x3  }
0xa: {  	_ =	strace s19  }
0xb: {  	s3 =	sld [smem:$0x3FFC];
	_ =	sdelay $0x3  }
0xc: {  	_ =	strace s3  }
0xd: {  	s3 =	sld [smem:$0x3FFD];
	_ =	sdelay $0x3  }
0xe: {  	_ =	strace s3  }
0xf: {  	_ =	strace $0x8FFFFFFF  }
0x10: {  	s20 =	sld [smem:$0x3FDB];
	_ =	sdelay $0x1  }
0x11: {  	s4 =	simm.s32 $_scs_section_size  }
0x12: {  	s5 =	simm.s32 $_size__tile_overlayer_lowered;
	s6 =	simm.s32 $_tile_overlayer_lowered  }
0x13: {  	s23 =	simm.s32 $0x1BFF;
	s22 =	sshll.u32 s6, $0x1;
	s3 =	sadd.s32 s4, s20  }
0x14: {  	s7 =	simm.s32 $0x0;
	s21 =	sshll.u32 s5, $0x1;
	s5 =	sadd.s32 s22, s3  }
0x15: {  	[timem:s7], [sflag:s23] =	dma.local [hbm:s5], s21  }
0x16: {  	_ =	swait.ge [sflag:s23], s21  }
0x17: {  	s4 =	ssub.s32 $0x0, s21;
	[sflag:s23] =	ssyncset.done $0x0  }
0x18: {  	[sflag:s23] =	ssyncadd.s32 s4;
	_ =	sdelay $0x1  }
0x19: {  	s24 =	simm.s32 $0x1B8B  }
0x1a: {  	_ =	swait.ge [sflag:s24], $0x1  }
0x1b: {  	[sflag:s24] =	ssyncset.done $0x0  }
0x1c: {  	s26 =	simm.s32 $0x1B8E;
	s25 =	sld [smem:$0x3FFE];
	[sflag:s24] =	ssyncadd.s32 $0xFFFFFFFF  }
0x1d: {  	s27 =	simm.s32 $execute0_lowered;
	[smem:$0x3FD2] =	sst s26  }
0x1e: {  	s5 =	sshll.u32 s27, $0x1;
	_ =	strace $0x80000049;
	[dreg:$0x1] =	wrdreg $0xFFFFFFFF  }
0x1f: {  	s28 =	simm.s32 $_size_execute0_lowered;
	s3 =	sadd.s32 s3, s5;
	[dreg:$0x0] =	wrdreg $0x0  }
0x20: {  	s5 =	sshll.u32 s28, $0x1;
	[dreg:$0x2] =	wrdreg s3  }
0x21: {  	[dreg:$0x3] =	wrdreg s5  }
0x22: {  	[dreg:$0x4] =	wrdreg $0xC0  }
0x23: {  	_ =	task [dreg:s7], $0x5FFFF  }
0x24: {  	[dreg:$0x1] =	wrdreg $0xFFFFFFFF  }
0x25: {  	[dreg:$0x0] =	wrdreg $0x60  }
0x26: {  	[dreg:$0x2] =	wrdreg s25  }
0x27: {  	[dreg:$0x3] =	wrdreg s2  }
0x28: {  	[dreg:$0x4] =	wrdreg $0x9  }
0x29: {  	_ =	task.clear_ibuf [dreg:s7], $0x5FFFF;
	_ =	strace $0x90000049  }
0x2a: {  	s29 =	simm.s32 $0x9;
	_ =	strace $0x8000004B  }
0x2b: {  	_ =	swait.ge [sflag:s29], $0x1  }
0x2c: {  	[sflag:s29] =	ssyncadd.s32 $0xFFFFFFFF  }
0x2d: {  	_ =	strace $0x9000004B  }
0x2e: {  	_ =	sfence  }
0x2f: {  	s30 =	sld [smem:$0x0];
	_ =	sdelay $0x2  }
0x30: {  	s31 =	sshll.u32 s1, $0xD;
	s1 =	sshrl.u32 s1, $0x2  }
0x31: {  	s3 =	sand.u32 $0x4000, s31;
	s1 =	sadd.s32 s1, s30  }
0x32: {  	s0 =	sor.u32 s3, s0;
	s1 =	sshll.u32 s1, $0x11  }
0x33: {  	s0 =	sor.u32 s1, s0  }
0x34: {  	s0 =	sadd.s32 $0x8F2B, s0  }
0x35: {  	[sflag:s0] =	ssyncadd.remote.s32 $0x1  }
0x36: {  	_ =	sfence.sel $0xFFFF  }
0x37: {  	[dreg:$0x0] =	wrdreg $0xFFFFFFFF;
	(pc) =	sbr.abs _section_cstart, $3  }
0x38: {  	[dreg:$0x1] =	wrdreg $0xFFFFFFFF  }
0x39: {  	_ =	task.clear_ibuf [dreg:s7], $0x2FFFF;
	_ =	strace $0x9FFFFFFF  }
0x3a: {  	(tm) =	ssettm $0x7FFFFFFF  }
0x3b: {  	_ =	shalt  }
tec
execute0_lowered:
.L_overlay_start_1:
0x0: {  	(tag) =	ssettag $0x1  }
0x1: {  	s0 =	srdreg.scid  }
0x2: {  	s1 =	sshll.u32 s0, $0x4  }
0x3: {  	s0 =	stileid.u32;
	s1 =	sand.u32 $0x10, s1  }
0x4: {  	s1 =	sor.u32 s0, s1  }
0x5: {  	s6 =	rddreg [dreg:$0x0];
	s4 =	simm.s32 $0x1;
	s2 =	sshll.u32 s1, $0x7  }
0x6: {  	s7 =	simm.s32 $0x2;
	s12 =	simm.s32 $0x0;
	s1 =	ssub.s32 $0x4000, s2  }
0x7: {  	s8 =	simm.s32 $0x20000;
	s13 =	simm.s32 $0x0;
	s3 =	sand.u32 $0xF80, s1  }
0x8: {  	s9 =	simm.s32 $0x0;
	s5 =	sshrl.u32 s1, $0xC;
	p0 =	sne.s32 s3, $0x0  }
.Ltmp0:
0x9: {  	s1 =	rddreg [dreg:$0x2];
	s4 =	simm.s32 @!p0 $0x0;
	(pc) =	sbr.rel .LBB1_1-.Ltmp0, $4  }
0xa: {  	s11 =	simm.s32 $0x0;
	s3 =	rddreg [dreg:$0x1];
	s5 =	sadd.s32 s4, s5  }
0xb: {  	_ =	strace $0x8000004A;
	s4 =	simm.s32 $0x1;
	s5 =	smul.u32 $0x32, s5  }
0xc: {  	s6 =	sadd.s32 $0xA00, s6;
	s10 =	smov.u32 s2;
	[sflag:s4] =	ssyncpa.u1 $0x0  }
0xd: {  	p0 =	por $0x0, $0x0;
	[sflag:s7] =	ssyncpa.u1 $0x0;
	s7 =	sor.u32 $0x1, s5  }
.LBB1_4:
0xe: {  	s16 =	sshll.u32 s13, $0x3;
	s17 =	sand.u32 $0x78, s13  }
0xf: {  	s30 =	sand.u32 $0xF800, s13;
	s12 =	sshll.u32 s12, $0x10;
	s16 =	sand.u32 $0x3C00, s16  }
0x10: {  	s31 =	sand.u32 $0x7, s13;
	s16 =	sor.u32 s17, s16;
	s17 =	sadd.s32 s3, s30  }
0x11: {  	s13 =	sshll.u32 s31, $0x12;
	s16 =	sshrl.u32 s16, $0x3;
	s12 =	sadd.s32 s12, s17  }
0x12: {  	[tilespmem:s15+$0x0 ss:$0x81] =	vst.msk $0xffff, v0;
	s13 =	sor.u32 $0x400, s13;
	s12 =	sadd.s32 s16, s12  }
0x13: {  	[hbm4b:s12+s13] =	stream.strided.scatter [tilespmem:s14], [sflag:$0x2], $0x1000, s8, s13, $0x20;
	[tilespmem:$0x4040] =	vst v63  }
.LBB1_5:
0x14: {  	s14 =	sadd.s32 $0x1, s9  }
0x15: {  	s12 =	sadd.s32 $0x1000, s10;
	s16 =	smov.u32 s10;
	p2 =	sgt.s32 s14, $0x31  }
0x16: {  	s16 =	smov.u32 @p2 s12  }
0x17: {  	s14 =	simm.s32 @p2 $0x0;
	p2 =	sgt.s32 s16, $0x3FFF  }
0x18: {  	s16 =	smov.u32 @p2 s2;
	p2 =	sne.s32 s11, s7  }
.Ltmp1:
0x19: {  	p1 =	slt.u32 s11, $0x2;
	(pc) =	sbr.rel @!p2 .LBB1_6-.Ltmp1, $4  }
0x1a: {  	s15 =	simm.s32 @!p1 $0x2  }
0x1b: {  	s13 =	smov.u32 s10;
	p0 =	por !p0, !p0;
	_ =	swait.ge @!p1 [sflag:s15], $0x1000  }
0x1c: {  	s12 =	smov.u32 s9;
	[sflag:s15] =	ssyncset.done @!p1 $0x0;
	s9 =	smov.u32 s14  }
0x1d: {  	s11 =	sadd.s32 $0x1, s11;
	[sflag:s15] =	ssyncadd.s32 @!p1 $0xFFFFF000;
	s10 =	smov.u32 s16  }
.LBB1_1:
0x1e: {  	p1 =	sge.u32 s11, s5  }
0x1f: {  	s14 =	sand.u32 @!p1 $0x1FFFFFF, s9  }
0x20: {  	s15 =	smulhi.u32 @!p1 $0x4924925, s14;
	_ =	sdelay $0x1  }
0x21: {  	s15 =	smul.u32 @!p1 $0x38, s15  }
0x22: {  	s16 =	sxor.u32 @!p1 $0xFFFFFFFF, s11;
	s17 =	smul.u32 @!p1 $0x380, s10  }
0x23: {  	s31 =	sadd.s32 $0xFFFFFFFF, s11;
	s16 =	sshll.u32 @!p1 s16, $0xC;
	s14 =	ssub.s32 @!p1 s14, s15  }
0x24: {  	s15 =	sand.u32 @!p1 $0x1000, s16;
	s16 =	sadd.s32 @!p1 s6, s17;
	s14 =	sshll.u32 @!p1 s14, $0x4  }
0x25: {  	s17 =	simm.s32 @!p1 $0x1C00;
	s14 =	sadd.s32 @!p1 s14, s16;
	s16 =	simm.s32 @!p1 $0x20  }
0x26: {  	[tilespmem:s15], [sflag:$0x1] =	stream.strided.gather @!p1 [hbm4b:s14+s16], $0x1000, s17, s16, $0x38;
	[tilespmem:$0x4040] =	vst v63  }
0x27: {  	p1 =	sge.u32 s31, s5  }
.Ltmp2:
0x28: {  	_ = 	snop;
	(pc) =	sbr.rel @p1 .LBB1_5-.Ltmp2, $1  }
0x29: {  	_ =	sdelay $0x3  }
0x2a: {  	s14 =	simm.s32 $0x1  }
0x2b: {  	_ =	swait.ge [sflag:s4], $0x1000;
	s14 =	simm.s32 @!p0 $0x0  }
0x2c: {  	[sflag:s4] =	ssyncset.done $0x0;
	s15 =	sshll.u32 s14, $0xC  }
0x2d: {  	[sflag:s4] =	ssyncadd.s32 $0xFFFFF000;
	s18 =	sor.u32 $0x10, s15  }
0x2e: {  	s14 =	smul.u32 $0x4080, s14;
	v1 =	vld [tilespmem:s18+$0x0]  }
0x2f: {  	s30 =	sand.u32 $0x1, s11;
	v0 =	vld [tilespmem:s18+$0xFFFFFFF0]  }
0x30: {  	s15 =	smul.u32 $0x4080, s30;
	s14 =	sshrl.u32 s14, $0x2  }
0x31: {  	s16 =	sor.u32 $0x2000, s14  }
0x32: {  	s31 =	sshrl.u32 s15, $0x2;
	s15 =	sadd.s32 $0x0, s16  }
0x33: {  	s17 =	simm.s32 $0x4;
	s18 =	sadd.s32 $0x20, s18;
	s14 =	sor.u32 $0x2000, s31;
	[tilespmem:s15+$0x810 ss:$0x81] =	vst.msk $0xffff, v1  }
.LBB1_3:
0x34: {  	v1 =	vld [tilespmem:s18+$0x0];
	p1 =	sne.s32 s17, $0x1FC;
	[tilespmem:s15+$0x0 ss:$0x81] =	vst.msk $0xffff, v0;
	s15 =	smov.u32 s17;
	s17 =	sadd.s32 $0x4, s17  }
.Ltmp3:
0x35: {  	v0 =	vld [tilespmem:s18+$0xFFFFFFF0];
	(pc) =	sbr.rel @p1 .LBB1_3-.Ltmp3, $4  }
0x36: {  	_ = 	snop  }
0x37: {  	s15 =	sshra.s32 s15, $0x2  }
0x38: {  	s15 =	sadd.s32 s15, s16  }
0x39: {  	s18 =	sadd.s32 $0x20, s18;
	[tilespmem:s15+$0x810 ss:$0x81] =	vst.msk $0xffff, v1  }
.Ltmp4:
0x3a: {  	_ = 	snop;
	(pc) =	sbr.rel .LBB1_4-.Ltmp4, $1  }
0x3b: {  	_ =	sdelay $0x3  }
.LBB1_6:
0x3c: {  	_ =	sfence.sel $0x180000  }
0x3d: {  	s2 =	simm.s32 $0x1;
	[bflag:$0x0] =	sbarrier.arrive $0xFFFF  }
0x3e: {  	s31 =	simm.s32 $0x2;
	[sflag:s2] =	ssyncpa.u1 $0x1  }
0x3f: {  	[sflag:s31] =	ssyncpa.u1 $0x1  }
0x40: {  	p0 =	sne.s32 s0, $0x0;
	_ =	strace $0x9000004A  }
0x41: {  	s0 =	sadd.s32 @!p0 $0x100000, s1;
	[bflag:$0x2] =	sbarrier.arrive $0xFFFF  }
0x42: {  	[sflag:s0] =	ssyncadd.tile.s32 @!p0 $0x1;
	_ =	shalt  }
.Lfunc_end1:
_tile_overlayer_lowered:
.L_overlay_start_2:
0x43: {  	(tag) =	ssettag $0x2  }
0x44: {  	s0 =	rddreg [dreg:$0x0];
	s2 =	stileid.u32  }
0x45: {  	s1 =	rddreg [dreg:$0x1];
	p0 =	sne.s32 s2, $0x0  }
0x46: {  	s3 =	rddreg [dreg:$0x2];
	[bflag:$0x3] =	sbarrier.arrive $0xFFFF;
	s2 =	simm.s32 @!p0 $0x1C01  }
0x47: {  	[timem:s3], [sflag:s2] =	dma.local @!p0 [hbm:s0], s1  }
0x48: {  	s0 =	simm.s32 @!p0 $0x1  }
0x49: {  	_ =	swait.ge @!p0 [sflag:s0], s1  }
0x4a: {  	s1 =	ssub.s32 @!p0 $0x0, s1;
	[sflag:s0] =	ssyncset.done @!p0 $0x0  }
0x4b: {  	[sflag:s0] =	ssyncadd.s32 @!p0 s1  }
0x4c: {  	[bflag:$0x3] =	sbarrier.arrive $0xFFFF  }
0x4d: {  	_ =	shalt  }

</sc_bundles>
